<compile_context>
chip_gen: v7x
topology: tpu7x:2x2x1
jax: 0.10.2.dev20260603
libtpu: 0.0.44.dev20260713+nightly
codegen_flags: <defaults>
</compile_context>

<pallas_src>
import jax
import jax.numpy as jnp
from jax.experimental import pallas as pl
from jax.experimental.pallas import tpu as pltpu

_B = 1024


def _body(fs_ref, w_ref, key_ref, kx_ref, z_ref, out_ref, obuf, carry, sc, sem):
    del z_ref
    b = pl.program_id(0)
    B, CIN = fs_ref.shape
    NTAP = 8
    COUT = w_ref.shape[1] // NTAP

    @pl.when(b == 0)
    def _():
        sc[0] = -1
        sc[1] = -1
        carry[...] = jnp.zeros_like(carry)

    keys = key_ref[0]
    kx = kx_ref[0]
    last_key = sc[0]
    base = sc[1]

    prev = jnp.concatenate(
        [jnp.full((1, 1), last_key, jnp.int32), keys[:, :-1]], axis=1)
    flags = (keys != prev).astype(jnp.float32)
    csum = flags
    d = 1
    while d < B:
        csum = csum + jnp.concatenate(
            [jnp.zeros((1, d), jnp.float32), csum[:, :B - d]], axis=1)
        d *= 2
    rf = base.astype(jnp.float32) + csum
    r0f = rf[0, 0]
    loc = rf - r0f

    feats = fs_ref[...].astype(jnp.bfloat16)
    z = jnp.dot(feats, w_ref[...], preferred_element_type=jnp.float32)
    kxc = kx.reshape(B, 1)
    t = jnp.zeros((B, COUT), jnp.float32)
    for k in range(NTAP):
        t = t + jnp.where(kxc == k, z[:, k * COUT:(k + 1) * COUT], 0.0)

    i0 = jax.lax.broadcasted_iota(jnp.int32, (B, B), 0)
    locf = loc
    M = (i0.astype(jnp.float32) == locf).astype(jnp.bfloat16)
    out_local = jnp.dot(M, t.astype(jnp.bfloat16),
                        preferred_element_type=jnp.float32)

    cont = keys[0, 0] == last_key
    rowmask = (jax.lax.broadcasted_iota(jnp.int32, (B, 1), 0) == 0) & cont
    out_local = out_local + jnp.where(rowmask, carry[0:1, :], 0.0)

    lB = loc[0, B - 1].astype(jnp.int32)
    selv = (jax.lax.broadcasted_iota(jnp.int32, (1, B), 1) == lB)
    carry[0:1, :] = jnp.dot(selv.astype(jnp.float32), out_local,
                            preferred_element_type=jnp.float32)
    sc[0] = keys[0, B - 1]
    sc[1] = rf[0, B - 1].astype(jnp.int32)

    slot = jax.lax.rem(b, 2)
    r0 = r0f.astype(jnp.int32)
    obuf[slot] = out_local

    @pl.when(b > 0)
    def _():
        prev_r0 = sc[2]
        pltpu.make_async_copy(
            obuf.at[1 - slot], out_ref.at[pl.ds(prev_r0, B), :], sem).wait()

    sc[2] = r0
    cp = pltpu.make_async_copy(obuf.at[slot], out_ref.at[pl.ds(r0, B), :], sem)
    cp.start()

    @pl.when(b == pl.num_programs(0) - 1)
    def _():
        pltpu.make_async_copy(
            obuf.at[slot], out_ref.at[pl.ds(r0, B), :], sem).wait()


def kernel(features, coords, weight):
    N, CIN = features.shape
    NTAP, _, COUT = weight.shape
    half = 256

    oc = coords >> 1
    key = (oc[:, 0] * half + oc[:, 1]) * half + oc[:, 2]
    kidx = (coords[:, 0] & 1) * 4 + (coords[:, 1] & 1) * 2 + (coords[:, 2] & 1)

    perm = jnp.argsort(key)
    skey = key[perm].astype(jnp.int32)
    fs = features[perm]
    kx = kidx[perm].astype(jnp.int32)

    B = _B
    NB = (N + B - 1) // B
    Npad = NB * B
    pad = Npad - N
    if pad:
        fs = jnp.concatenate([fs, jnp.zeros((pad, CIN), fs.dtype)])
        skey = jnp.concatenate(
            [skey, jnp.full((pad,), jnp.int32(2147483647))])
        kx = jnp.concatenate([kx, jnp.zeros((pad,), jnp.int32)])

    keys3 = skey.reshape(NB, 1, B)
    kx3 = kx.reshape(NB, 1, B)
    wall = weight.transpose(1, 0, 2).reshape(CIN, NTAP * COUT).astype(
        jnp.bfloat16)
    zout = jnp.zeros((Npad, COUT), jnp.float32)

    out = pl.pallas_call(
        _body,
        grid=(NB,),
        in_specs=[
            pl.BlockSpec((B, CIN), lambda b: (b, 0)),
            pl.BlockSpec((CIN, NTAP * COUT), lambda b: (0, 0)),
            pl.BlockSpec((1, 1, B), lambda b: (b, 0, 0)),
            pl.BlockSpec((1, 1, B), lambda b: (b, 0, 0)),
            pl.BlockSpec(memory_space=pl.ANY),
        ],
        out_specs=pl.BlockSpec(memory_space=pl.ANY),
        out_shape=jax.ShapeDtypeStruct((Npad, COUT), jnp.float32),
        input_output_aliases={4: 0},
        scratch_shapes=[
            pltpu.VMEM((2, B, COUT), jnp.float32),
            pltpu.VMEM((8, COUT), jnp.float32),
            pltpu.SMEM((4,), jnp.int32),
            pltpu.SemaphoreType.DMA,
        ],
        compiler_params=pltpu.CompilerParams(
            dimension_semantics=("arbitrary",)),
    )(fs, wall, keys3, kx3, zout)
    return out[:N]

# --- scband reference (transcript-rebuilt; emitter-appended) ---
"""Pipeline reference for scband-sparse-downsample-3968549781706 (READ-ONLY COPY).

The authoritative reference and input builder live on the scoring server;
editing this copy changes nothing except your own understanding.
"""

import jax, jax.numpy as jnp
import numpy as np

N = 200000
CIN = 32
COUT = 64
GRID = 512


def setup_inputs(seed: int = 0) -> dict:
    key = jax.random.key(seed)
    k1, k2, k3 = jax.random.split(key, 3)
    features = jax.random.normal(k1, (N, CIN), dtype=jnp.float32)
    coords = jax.random.randint(k2, (N, 3), 0, GRID, dtype=jnp.int32)
    # kernel_size=2, stride=2, dimension=3 -> 2^3 = 8 kernel offsets, each with a [CIN, COUT] weight
    weight = jax.random.normal(k3, (8, CIN, COUT), dtype=jnp.float32) * (1.0 / np.sqrt(CIN * 8))
    return {"features": features, "coords": coords, "weight": weight}


def reference(features, coords, weight):
    # Strided sparse convolution (kernel=2, stride=2, dim=3).
    # Each input voxel at coordinate c contributes to exactly one output voxel at c // 2,
    # through the kernel tap selected by the parity offset c % 2.
    out_coords = coords // 2
    offs = coords % 2
    kidx = offs[:, 0] * 4 + offs[:, 1] * 2 + offs[:, 2]  # which of the 8 kernel taps

    # Apply the per-tap weight matrix to every input feature
    transformed = jnp.zeros((features.shape[0], weight.shape[2]), dtype=features.dtype)
    for k in range(8):
        mask = (kidx == k).astype(features.dtype)[:, None]
        transformed = transformed + (features * mask) @ weight[k]

    # Scatter-add contributions into unique output voxels (hash output coordinate)
    half = GRID // 2
    key64 = (out_coords[:, 0].astype(jnp.int64) * half + out_coords[:, 1].astype(jnp.int64)) * half + out_coords[:, 2].astype(jnp.int64)
    uniq, inv = jnp.unique(key64, return_inverse=True, size=key64.shape[0], fill_value=-1)
    inv = inv.reshape(-1)
    out = jax.ops.segment_sum(transformed, inv, num_segments=key64.shape[0])
    # out[i] is the feature row of the i-th unique output voxel (trailing rows are zero padding
    # so the output shape is deterministic: [N, COUT])
    return out

if __name__ == "__main__":
    import jax
    _d = setup_inputs()
    print(jax.jit(kernel)(*tuple(_d.values())))

</pallas_src>

<mosaic_0001>
module attributes {stable_mosaic.version = 14 : i64} {
  func.func @_body(%arg0: i32, %arg1: memref<1024x32xf32, #tpu.memory_space<vmem>>, %arg2: memref<32x512xbf16, #tpu.memory_space<vmem>>, %arg3: memref<1x1x1024xi32, #tpu.memory_space<vmem>>, %arg4: memref<1x1x1024xi32, #tpu.memory_space<vmem>>, %arg5: memref<200704x64xf32, #tpu.memory_space<any>>, %arg6: memref<200704x64xf32, #tpu.memory_space<any>>, %arg7: memref<2x1024x64xf32, #tpu.memory_space<vmem>>, %arg8: memref<8x64xf32, #tpu.memory_space<vmem>>, %arg9: memref<4xi32, #tpu.memory_space<smem>>, %arg10: memref<!tpu.dma_semaphore, #tpu.memory_space<semaphore_mem>>) attributes {dimension_semantics = [#tpu.dimension_semantics<arbitrary>], iteration_bounds = array<i64: 196>, scalar_prefetch = 0 : i64, scratch_operands = 4 : i64, tpu.core_type = #tpu.core_type<tc>, window_params = [{transform_indices = @transform_0, window_bounds = array<i64: 1024, 32>}, {pipeline_mode = #tpu.pipeline_mode<synchronous>, transform_indices = @transform_1, window_bounds = array<i64: 32, 512>}, {transform_indices = @transform_2, window_bounds = array<i64: 1, 1, 1024>}, {transform_indices = @transform_3, window_bounds = array<i64: 1, 1, 1024>}, {}, {}]} {
    %eq3A = arith.constant 0 : i32
    %eq3A_0 = arith.cmpi eq, %arg0, %eq3A : i32
    %convert_element_type3A = arith.extui %eq3A_0 : i1 to i32
    %cond3A = arith.constant 0 : i32
    %cond3A_1 = arith.cmpi ne, %convert_element_type3A, %cond3A : i32
    scf.if %cond3A_1 {
      %swap3A_232 = arith.constant -1 : i32
      %swap3A_233 = arith.constant 0 : index
      %swap3A_234 = memref.load %arg9[%swap3A_233] : memref<4xi32, #tpu.memory_space<smem>>
      memref.store %swap3A_232, %arg9[%swap3A_233] : memref<4xi32, #tpu.memory_space<smem>>
      %swap3A_235 = arith.constant -1 : i32
      %swap3A_236 = arith.constant 1 : index
      %swap3A_237 = memref.load %arg9[%swap3A_236] : memref<4xi32, #tpu.memory_space<smem>>
      memref.store %swap3A_235, %arg9[%swap3A_236] : memref<4xi32, #tpu.memory_space<smem>>
      %broadcast_in_dim3A_238 = arith.constant 0.000000e+00 : f32
      %broadcast_in_dim3A_239 = vector.broadcast %broadcast_in_dim3A_238 : f32 to vector<8x64xf32>
      %swap3A_240 = arith.constant 0 : index
      %swap3A_241 = arith.constant 0 : index
      %swap3A_242 = vector.load %arg8[%swap3A_240, %swap3A_241] : memref<8x64xf32, #tpu.memory_space<vmem>>, vector<8x64xf32>
      tpu.vector_store %arg8[%swap3A_240, %swap3A_241], %broadcast_in_dim3A_239 {strides = array<i32>} : memref<8x64xf32, #tpu.memory_space<vmem>>, vector<8x64xf32>,
    } else {
    }
    %get3A = arith.constant 0 : index
    %get3A_2 = arith.constant 0 : index
    %get3A_3 = arith.constant 0 : index
    %get3A_4 = vector.load %arg3[%get3A, %get3A_2, %get3A_3] : memref<1x1x1024xi32, #tpu.memory_space<vmem>>, vector<1x1x1024xi32>
    %get3A_5 = vector.shape_cast %get3A_4 : vector<1x1x1024xi32> to vector<1x1024xi32>
    %get3A_6 = arith.constant 0 : index
    %get3A_7 = arith.constant 0 : index
    %get3A_8 = arith.constant 0 : index
    %get3A_9 = vector.load %arg4[%get3A_6, %get3A_7, %get3A_8] : memref<1x1x1024xi32, #tpu.memory_space<vmem>>, vector<1x1x1024xi32>
    %get3A_10 = vector.shape_cast %get3A_9 : vector<1x1x1024xi32> to vector<1x1024xi32>
    %get3A_11 = arith.constant 0 : index
    %get3A_12 = memref.load %arg9[%get3A_11] : memref<4xi32, #tpu.memory_space<smem>>
    %get3A_13 = arith.constant 1 : index
    %get3A_14 = memref.load %arg9[%get3A_13] : memref<4xi32, #tpu.memory_space<smem>>
    %broadcast_in_dim3A = vector.broadcast %get3A_12 : i32 to vector<1x1xi32>
    %slice3A = vector.extract_strided_slice %get3A_5 {offsets = [0, 0], sizes = [1, 1023], strides = [1, 1]} : vector<1x1024xi32> to vector<1x1023xi32>
    %concatenate3A = tpu.concatenate %broadcast_in_dim3A, %slice3A in 1 : vector<1x1xi32>, vector<1x1023xi32> -> vector<1x1024xi32>
    %ne3A = arith.cmpi ne, %get3A_5, %concatenate3A : vector<1x1024xi32>
    %convert_element_type3A_15 = arith.extui %ne3A : vector<1x1024xi1> to vector<1x1024xi32>
    %convert_element_type3A_16 = arith.sitofp %convert_element_type3A_15 : vector<1x1024xi32> to vector<1x1024xf32>
    %broadcast_in_dim3A_17 = arith.constant 0.000000e+00 : f32
    %broadcast_in_dim3A_18 = vector.broadcast %broadcast_in_dim3A_17 : f32 to vector<1x1xf32>
    %slice3A_19 = vector.extract_strided_slice %convert_element_type3A_16 {offsets = [0, 0], sizes = [1, 1023], strides = [1, 1]} : vector<1x1024xf32> to vector<1x1023xf32>
    %concatenate3A_20 = tpu.concatenate %broadcast_in_dim3A_18, %slice3A_19 in 1 : vector<1x1xf32>, vector<1x1023xf32> -> vector<1x1024xf32>
    %add3A = arith.addf %convert_element_type3A_16, %concatenate3A_20 : vector<1x1024xf32>
    %broadcast_in_dim3A_21 = arith.constant 0.000000e+00 : f32
    %broadcast_in_dim3A_22 = vector.broadcast %broadcast_in_dim3A_21 : f32 to vector<1x2xf32>
    %slice3A_23 = vector.extract_strided_slice %add3A {offsets = [0, 0], sizes = [1, 1022], strides = [1, 1]} : vector<1x1024xf32> to vector<1x1022xf32>
    %concatenate3A_24 = tpu.concatenate %broadcast_in_dim3A_22, %slice3A_23 in 1 : vector<1x2xf32>, vector<1x1022xf32> -> vector<1x1024xf32>
    %add3A_25 = arith.addf %add3A, %concatenate3A_24 : vector<1x1024xf32>
    %broadcast_in_dim3A_26 = arith.constant 0.000000e+00 : f32
    %broadcast_in_dim3A_27 = vector.broadcast %broadcast_in_dim3A_26 : f32 to vector<1x4xf32>
    %slice3A_28 = vector.extract_strided_slice %add3A_25 {offsets = [0, 0], sizes = [1, 1020], strides = [1, 1]} : vector<1x1024xf32> to vector<1x1020xf32>
    %concatenate3A_29 = tpu.concatenate %broadcast_in_dim3A_27, %slice3A_28 in 1 : vector<1x4xf32>, vector<1x1020xf32> -> vector<1x1024xf32>
    %add3A_30 = arith.addf %add3A_25, %concatenate3A_29 : vector<1x1024xf32>
    %broadcast_in_dim3A_31 = arith.constant 0.000000e+00 : f32
    %broadcast_in_dim3A_32 = vector.broadcast %broadcast_in_dim3A_31 : f32 to vector<1x8xf32>
    %slice3A_33 = vector.extract_strided_slice %add3A_30 {offsets = [0, 0], sizes = [1, 1016], strides = [1, 1]} : vector<1x1024xf32> to vector<1x1016xf32>
    %concatenate3A_34 = tpu.concatenate %broadcast_in_dim3A_32, %slice3A_33 in 1 : vector<1x8xf32>, vector<1x1016xf32> -> vector<1x1024xf32>
    %add3A_35 = arith.addf %add3A_30, %concatenate3A_34 : vector<1x1024xf32>
    %broadcast_in_dim3A_36 = arith.constant 0.000000e+00 : f32
    %broadcast_in_dim3A_37 = vector.broadcast %broadcast_in_dim3A_36 : f32 to vector<1x16xf32>
    %slice3A_38 = vector.extract_strided_slice %add3A_35 {offsets = [0, 0], sizes = [1, 1008], strides = [1, 1]} : vector<1x1024xf32> to vector<1x1008xf32>
    %concatenate3A_39 = tpu.concatenate %broadcast_in_dim3A_37, %slice3A_38 in 1 : vector<1x16xf32>, vector<1x1008xf32> -> vector<1x1024xf32>
    %add3A_40 = arith.addf %add3A_35, %concatenate3A_39 : vector<1x1024xf32>
    %broadcast_in_dim3A_41 = arith.constant 0.000000e+00 : f32
    %broadcast_in_dim3A_42 = vector.broadcast %broadcast_in_dim3A_41 : f32 to vector<1x32xf32>
    %slice3A_43 = vector.extract_strided_slice %add3A_40 {offsets = [0, 0], sizes = [1, 992], strides = [1, 1]} : vector<1x1024xf32> to vector<1x992xf32>
    %concatenate3A_44 = tpu.concatenate %broadcast_in_dim3A_42, %slice3A_43 in 1 : vector<1x32xf32>, vector<1x992xf32> -> vector<1x1024xf32>
    %add3A_45 = arith.addf %add3A_40, %concatenate3A_44 : vector<1x1024xf32>
    %broadcast_in_dim3A_46 = arith.constant 0.000000e+00 : f32
    %broadcast_in_dim3A_47 = vector.broadcast %broadcast_in_dim3A_46 : f32 to vector<1x64xf32>
    %slice3A_48 = vector.extract_strided_slice %add3A_45 {offsets = [0, 0], sizes = [1, 960], strides = [1, 1]} : vector<1x1024xf32> to vector<1x960xf32>
    %concatenate3A_49 = tpu.concatenate %broadcast_in_dim3A_47, %slice3A_48 in 1 : vector<1x64xf32>, vector<1x960xf32> -> vector<1x1024xf32>
    %add3A_50 = arith.addf %add3A_45, %concatenate3A_49 : vector<1x1024xf32>
    %broadcast_in_dim3A_51 = arith.constant 0.000000e+00 : f32
    %broadcast_in_dim3A_52 = vector.broadcast %broadcast_in_dim3A_51 : f32 to vector<1x128xf32>
    %slice3A_53 = vector.extract_strided_slice %add3A_50 {offsets = [0, 0], sizes = [1, 896], strides = [1, 1]} : vector<1x1024xf32> to vector<1x896xf32>
    %concatenate3A_54 = tpu.concatenate %broadcast_in_dim3A_52, %slice3A_53 in 1 : vector<1x128xf32>, vector<1x896xf32> -> vector<1x1024xf32>
    %add3A_55 = arith.addf %add3A_50, %concatenate3A_54 : vector<1x1024xf32>
    %broadcast_in_dim3A_56 = arith.constant 0.000000e+00 : f32
    %broadcast_in_dim3A_57 = vector.broadcast %broadcast_in_dim3A_56 : f32 to vector<1x256xf32>
    %slice3A_58 = vector.extract_strided_slice %add3A_55 {offsets = [0, 0], sizes = [1, 768], strides = [1, 1]} : vector<1x1024xf32> to vector<1x768xf32>
    %concatenate3A_59 = tpu.concatenate %broadcast_in_dim3A_57, %slice3A_58 in 1 : vector<1x256xf32>, vector<1x768xf32> -> vector<1x1024xf32>
    %add3A_60 = arith.addf %add3A_55, %concatenate3A_59 : vector<1x1024xf32>
    %broadcast_in_dim3A_61 = arith.constant 0.000000e+00 : f32
    %broadcast_in_dim3A_62 = vector.broadcast %broadcast_in_dim3A_61 : f32 to vector<1x512xf32>
    %slice3A_63 = vector.extract_strided_slice %add3A_60 {offsets = [0, 0], sizes = [1, 512], strides = [1, 1]} : vector<1x1024xf32> to vector<1x512xf32>
    %concatenate3A_64 = tpu.concatenate %broadcast_in_dim3A_62, %slice3A_63 in 1 : vector<1x512xf32>, vector<1x512xf32> -> vector<1x1024xf32>
    %add3A_65 = arith.addf %add3A_60, %concatenate3A_64 : vector<1x1024xf32>
    %convert_element_type3A_66 = arith.sitofp %get3A_14 : i32 to f32
    %add3A_67 = vector.broadcast %convert_element_type3A_66 : f32 to vector<1x1024xf32>
    %add3A_68 = arith.addf %add3A_67, %add3A_65 : vector<1x1024xf32>
    %slice3A_69 = vector.extract_strided_slice %add3A_68 {offsets = [0, 0], sizes = [1, 1], strides = [1, 1]} : vector<1x1024xf32> to vector<1x1xf32>
    %squeeze3A = vector.extract %slice3A_69[0, 0] : f32 from vector<1x1xf32>
    %sub3A = vector.broadcast %squeeze3A : f32 to vector<1x1024xf32>
    %sub3A_70 = arith.subf %add3A_68, %sub3A : vector<1x1024xf32>
    %get3A_71 = arith.constant 0 : index
    %get3A_72 = arith.constant 0 : index
    %get3A_73 = vector.load %arg1[%get3A_71, %get3A_72] : memref<1024x32xf32, #tpu.memory_space<vmem>>, vector<1024x32xf32>
    %convert_element_type3A_74 = arith.truncf %get3A_73 : vector<1024x32xf32> to vector<1024x32xbf16>
    %get3A_75 = arith.constant 0 : index
    %get3A_76 = arith.constant 0 : index
    %get3A_77 = vector.load %arg2[%get3A_75, %get3A_76] : memref<32x512xbf16, #tpu.memory_space<vmem>>, vector<32x512xbf16>
    %dot_general3A = arith.constant dense<0.000000e+00> : vector<1024x512xf32>
    %dot_general3A_78 = tpu.matmul %convert_element_type3A_74, %get3A_77, %dot_general3A {dimension_numbers = #tpu.dot_dimension_numbers<[1], [0], [0], [1], [0, 0, 1, 1], [], []>, transpose_lhs_hint = false} : vector<1024x32xbf16>, vector<32x512xbf16>, vector<1024x512xf32> -> vector<1024x512xf32>
    %reshape3A = vector.shape_cast %get3A_10 : vector<1x1024xi32> to vector<1024x1xi32>
    %broadcast_in_dim3A_79 = arith.constant 0.000000e+00 : f32
    %broadcast_in_dim3A_80 = vector.broadcast %broadcast_in_dim3A_79 : f32 to vector<1024x64xf32>
    %eq3A_81 = arith.constant 0 : i32
    %eq3A_82 = vector.broadcast %eq3A_81 : i32 to vector<1024x1xi32>
    %eq3A_83 = arith.cmpi eq, %reshape3A, %eq3A_82 : vector<1024x1xi32>
    %slice3A_84 = vector.extract_strided_slice %dot_general3A_78 {offsets = [0, 0], sizes = [1024, 64], strides = [1, 1]} : vector<1024x512xf32> to vector<1024x64xf32>
    %jit3A = arith.constant 0.000000e+00 : f32
    %broadcast_in_dim3A_85 = vector.shape_cast %eq3A_83 : vector<1024x1xi1> to vector<1024x1xi1>
    %broadcast_in_dim3A_86 = vector.broadcast %broadcast_in_dim3A_85 : vector<1024x1xi1> to vector<1024x64xi1>
    %broadcast_in_dim3A_87 = vector.broadcast %jit3A : f32 to vector<1024x64xf32>
    %select_n3A = arith.select %broadcast_in_dim3A_86, %slice3A_84, %broadcast_in_dim3A_87 : vector<1024x64xi1>, vector<1024x64xf32>
    %add3A_88 = arith.addf %broadcast_in_dim3A_80, %select_n3A : vector<1024x64xf32>
    %eq3A_89 = arith.constant 1 : i32
    %eq3A_90 = vector.broadcast %eq3A_89 : i32 to vector<1024x1xi32>
    %eq3A_91 = arith.cmpi eq, %reshape3A, %eq3A_90 : vector<1024x1xi32>
    %slice3A_92 = vector.extract_strided_slice %dot_general3A_78 {offsets = [0, 64], sizes = [1024, 64], strides = [1, 1]} : vector<1024x512xf32> to vector<1024x64xf32>
    %jit3A_93 = arith.constant 0.000000e+00 : f32
    %broadcast_in_dim3A_94 = vector.shape_cast %eq3A_91 : vector<1024x1xi1> to vector<1024x1xi1>
    %broadcast_in_dim3A_95 = vector.broadcast %broadcast_in_dim3A_94 : vector<1024x1xi1> to vector<1024x64xi1>
    %broadcast_in_dim3A_96 = vector.broadcast %jit3A_93 : f32 to vector<1024x64xf32>
    %select_n3A_97 = arith.select %broadcast_in_dim3A_95, %slice3A_92, %broadcast_in_dim3A_96 : vector<1024x64xi1>, vector<1024x64xf32>
    %add3A_98 = arith.addf %add3A_88, %select_n3A_97 : vector<1024x64xf32>
    %eq3A_99 = arith.constant 2 : i32
    %eq3A_100 = vector.broadcast %eq3A_99 : i32 to vector<1024x1xi32>
    %eq3A_101 = arith.cmpi eq, %reshape3A, %eq3A_100 : vector<1024x1xi32>
    %slice3A_102 = vector.extract_strided_slice %dot_general3A_78 {offsets = [0, 128], sizes = [1024, 64], strides = [1, 1]} : vector<1024x512xf32> to vector<1024x64xf32>
    %jit3A_103 = arith.constant 0.000000e+00 : f32
    %broadcast_in_dim3A_104 = vector.shape_cast %eq3A_101 : vector<1024x1xi1> to vector<1024x1xi1>
    %broadcast_in_dim3A_105 = vector.broadcast %broadcast_in_dim3A_104 : vector<1024x1xi1> to vector<1024x64xi1>
    %broadcast_in_dim3A_106 = vector.broadcast %jit3A_103 : f32 to vector<1024x64xf32>
    %select_n3A_107 = arith.select %broadcast_in_dim3A_105, %slice3A_102, %broadcast_in_dim3A_106 : vector<1024x64xi1>, vector<1024x64xf32>
    %add3A_108 = arith.addf %add3A_98, %select_n3A_107 : vector<1024x64xf32>
    %eq3A_109 = arith.constant 3 : i32
    %eq3A_110 = vector.broadcast %eq3A_109 : i32 to vector<1024x1xi32>
    %eq3A_111 = arith.cmpi eq, %reshape3A, %eq3A_110 : vector<1024x1xi32>
    %slice3A_112 = vector.extract_strided_slice %dot_general3A_78 {offsets = [0, 192], sizes = [1024, 64], strides = [1, 1]} : vector<1024x512xf32> to vector<1024x64xf32>
    %jit3A_113 = arith.constant 0.000000e+00 : f32
    %broadcast_in_dim3A_114 = vector.shape_cast %eq3A_111 : vector<1024x1xi1> to vector<1024x1xi1>
    %broadcast_in_dim3A_115 = vector.broadcast %broadcast_in_dim3A_114 : vector<1024x1xi1> to vector<1024x64xi1>
    %broadcast_in_dim3A_116 = vector.broadcast %jit3A_113 : f32 to vector<1024x64xf32>
    %select_n3A_117 = arith.select %broadcast_in_dim3A_115, %slice3A_112, %broadcast_in_dim3A_116 : vector<1024x64xi1>, vector<1024x64xf32>
    %add3A_118 = arith.addf %add3A_108, %select_n3A_117 : vector<1024x64xf32>
    %eq3A_119 = arith.constant 4 : i32
    %eq3A_120 = vector.broadcast %eq3A_119 : i32 to vector<1024x1xi32>
    %eq3A_121 = arith.cmpi eq, %reshape3A, %eq3A_120 : vector<1024x1xi32>
    %slice3A_122 = vector.extract_strided_slice %dot_general3A_78 {offsets = [0, 256], sizes = [1024, 64], strides = [1, 1]} : vector<1024x512xf32> to vector<1024x64xf32>
    %jit3A_123 = arith.constant 0.000000e+00 : f32
    %broadcast_in_dim3A_124 = vector.shape_cast %eq3A_121 : vector<1024x1xi1> to vector<1024x1xi1>
    %broadcast_in_dim3A_125 = vector.broadcast %broadcast_in_dim3A_124 : vector<1024x1xi1> to vector<1024x64xi1>
    %broadcast_in_dim3A_126 = vector.broadcast %jit3A_123 : f32 to vector<1024x64xf32>
    %select_n3A_127 = arith.select %broadcast_in_dim3A_125, %slice3A_122, %broadcast_in_dim3A_126 : vector<1024x64xi1>, vector<1024x64xf32>
    %add3A_128 = arith.addf %add3A_118, %select_n3A_127 : vector<1024x64xf32>
    %eq3A_129 = arith.constant 5 : i32
    %eq3A_130 = vector.broadcast %eq3A_129 : i32 to vector<1024x1xi32>
    %eq3A_131 = arith.cmpi eq, %reshape3A, %eq3A_130 : vector<1024x1xi32>
    %slice3A_132 = vector.extract_strided_slice %dot_general3A_78 {offsets = [0, 320], sizes = [1024, 64], strides = [1, 1]} : vector<1024x512xf32> to vector<1024x64xf32>
    %jit3A_133 = arith.constant 0.000000e+00 : f32
    %broadcast_in_dim3A_134 = vector.shape_cast %eq3A_131 : vector<1024x1xi1> to vector<1024x1xi1>
    %broadcast_in_dim3A_135 = vector.broadcast %broadcast_in_dim3A_134 : vector<1024x1xi1> to vector<1024x64xi1>
    %broadcast_in_dim3A_136 = vector.broadcast %jit3A_133 : f32 to vector<1024x64xf32>
    %select_n3A_137 = arith.select %broadcast_in_dim3A_135, %slice3A_132, %broadcast_in_dim3A_136 : vector<1024x64xi1>, vector<1024x64xf32>
    %add3A_138 = arith.addf %add3A_128, %select_n3A_137 : vector<1024x64xf32>
    %eq3A_139 = arith.constant 6 : i32
    %eq3A_140 = vector.broadcast %eq3A_139 : i32 to vector<1024x1xi32>
    %eq3A_141 = arith.cmpi eq, %reshape3A, %eq3A_140 : vector<1024x1xi32>
    %slice3A_142 = vector.extract_strided_slice %dot_general3A_78 {offsets = [0, 384], sizes = [1024, 64], strides = [1, 1]} : vector<1024x512xf32> to vector<1024x64xf32>
    %jit3A_143 = arith.constant 0.000000e+00 : f32
    %broadcast_in_dim3A_144 = vector.shape_cast %eq3A_141 : vector<1024x1xi1> to vector<1024x1xi1>
    %broadcast_in_dim3A_145 = vector.broadcast %broadcast_in_dim3A_144 : vector<1024x1xi1> to vector<1024x64xi1>
    %broadcast_in_dim3A_146 = vector.broadcast %jit3A_143 : f32 to vector<1024x64xf32>
    %select_n3A_147 = arith.select %broadcast_in_dim3A_145, %slice3A_142, %broadcast_in_dim3A_146 : vector<1024x64xi1>, vector<1024x64xf32>
    %add3A_148 = arith.addf %add3A_138, %select_n3A_147 : vector<1024x64xf32>
    %eq3A_149 = arith.constant 7 : i32
    %eq3A_150 = vector.broadcast %eq3A_149 : i32 to vector<1024x1xi32>
    %eq3A_151 = arith.cmpi eq, %reshape3A, %eq3A_150 : vector<1024x1xi32>
    %slice3A_152 = vector.extract_strided_slice %dot_general3A_78 {offsets = [0, 448], sizes = [1024, 64], strides = [1, 1]} : vector<1024x512xf32> to vector<1024x64xf32>
    %jit3A_153 = arith.constant 0.000000e+00 : f32
    %broadcast_in_dim3A_154 = vector.shape_cast %eq3A_151 : vector<1024x1xi1> to vector<1024x1xi1>
    %broadcast_in_dim3A_155 = vector.broadcast %broadcast_in_dim3A_154 : vector<1024x1xi1> to vector<1024x64xi1>
    %broadcast_in_dim3A_156 = vector.broadcast %jit3A_153 : f32 to vector<1024x64xf32>
    %select_n3A_157 = arith.select %broadcast_in_dim3A_155, %slice3A_152, %broadcast_in_dim3A_156 : vector<1024x64xi1>, vector<1024x64xf32>
    %add3A_158 = arith.addf %add3A_148, %select_n3A_157 : vector<1024x64xf32>
    %iota3A = tpu.iota {dimensions = array<i32: 0>} : vector<1024x1024xi32>
    %convert_element_type3A_159 = arith.sitofp %iota3A : vector<1024x1024xi32> to vector<1024x1024xf32>
    %eq3A_160 = vector.broadcast %sub3A_70 : vector<1x1024xf32> to vector<1024x1024xf32>
    %eq3A_161 = arith.cmpf oeq, %convert_element_type3A_159, %eq3A_160 : vector<1024x1024xf32>
    %convert_element_type3A_162 = arith.extui %eq3A_161 : vector<1024x1024xi1> to vector<1024x1024xi32>
    %convert_element_type3A_163 = arith.sitofp %convert_element_type3A_162 : vector<1024x1024xi32> to vector<1024x1024xf32>
    %convert_element_type3A_164 = arith.truncf %convert_element_type3A_163 : vector<1024x1024xf32> to vector<1024x1024xbf16>
    %convert_element_type3A_165 = arith.truncf %add3A_158 : vector<1024x64xf32> to vector<1024x64xbf16>
    %dot_general3A_166 = arith.constant dense<0.000000e+00> : vector<1024x64xf32>
    %dot_general3A_167 = tpu.matmul %convert_element_type3A_164, %convert_element_type3A_165, %dot_general3A_166 {dimension_numbers = #tpu.dot_dimension_numbers<[1], [0], [0], [1], [0, 0, 1, 1], [], []>, transpose_lhs_hint = false} : vector<1024x1024xbf16>, vector<1024x64xbf16>, vector<1024x64xf32> -> vector<1024x64xf32>
    %slice3A_168 = vector.extract_strided_slice %get3A_5 {offsets = [0, 0], sizes = [1, 1], strides = [1, 1]} : vector<1x1024xi32> to vector<1x1xi32>
    %squeeze3A_169 = vector.extract %slice3A_168[0, 0] : i32 from vector<1x1xi32>
    %eq3A_170 = arith.cmpi eq, %squeeze3A_169, %get3A_12 : i32
    %iota3A_171 = tpu.iota {dimensions = array<i32: 0>} : vector<1024x1xi32>
    %eq3A_172 = arith.constant 0 : i32
    %eq3A_173 = vector.broadcast %eq3A_172 : i32 to vector<1024x1xi32>
    %eq3A_174 = arith.cmpi eq, %iota3A_171, %eq3A_173 : vector<1024x1xi32>
    %and3A = vector.broadcast %eq3A_170 : i1 to vector<1024x1xi1>
    %and3A_175 = arith.andi %eq3A_174, %and3A : vector<1024x1xi1>
    %get3A_176 = arith.constant 0 : index
    %get3A_177 = arith.constant 0 : index
    %get3A_178 = vector.load %arg8[%get3A_176, %get3A_177] : memref<8x64xf32, #tpu.memory_space<vmem>>, vector<1x64xf32>
    %jit3A_179 = arith.constant 0.000000e+00 : f32
    %broadcast_in_dim3A_180 = vector.shape_cast %and3A_175 : vector<1024x1xi1> to vector<1024x1xi1>
    %broadcast_in_dim3A_181 = vector.broadcast %broadcast_in_dim3A_180 : vector<1024x1xi1> to vector<1024x64xi1>
    %broadcast_in_dim3A_182 = vector.shape_cast %get3A_178 : vector<1x64xf32> to vector<1x64xf32>
    %broadcast_in_dim3A_183 = vector.broadcast %broadcast_in_dim3A_182 : vector<1x64xf32> to vector<1024x64xf32>
    %broadcast_in_dim3A_184 = vector.broadcast %jit3A_179 : f32 to vector<1024x64xf32>
    %select_n3A_185 = arith.select %broadcast_in_dim3A_181, %broadcast_in_dim3A_183, %broadcast_in_dim3A_184 : vector<1024x64xi1>, vector<1024x64xf32>
    %add3A_186 = arith.addf %dot_general3A_167, %select_n3A_185 : vector<1024x64xf32>
    %slice3A_187 = vector.extract_strided_slice %sub3A_70 {offsets = [0, 1023], sizes = [1, 1], strides = [1, 1]} : vector<1x1024xf32> to vector<1x1xf32>
    %squeeze3A_188 = vector.extract %slice3A_187[0, 0] : f32 from vector<1x1xf32>
    %convert_element_type3A_189 = arith.fptosi %squeeze3A_188 : f32 to i32
    %iota3A_190 = tpu.iota {dimensions = array<i32: 1>} : vector<1x1024xi32>
    %eq3A_191 = vector.broadcast %convert_element_type3A_189 : i32 to vector<1x1024xi32>
    %eq3A_192 = arith.cmpi eq, %iota3A_190, %eq3A_191 : vector<1x1024xi32>
    %convert_element_type3A_193 = arith.extui %eq3A_192 : vector<1x1024xi1> to vector<1x1024xi32>
    %convert_element_type3A_194 = arith.sitofp %convert_element_type3A_193 : vector<1x1024xi32> to vector<1x1024xf32>
    %dot_general3A_195 = arith.constant dense<0.000000e+00> : vector<1x64xf32>
    %dot_general3A_196 = tpu.matmul %convert_element_type3A_194, %add3A_186, %dot_general3A_195 {dimension_numbers = #tpu.dot_dimension_numbers<[1], [0], [0], [1], [0, 0, 1, 1], [], []>, transpose_lhs_hint = false} : vector<1x1024xf32>, vector<1024x64xf32>, vector<1x64xf32> -> vector<1x64xf32>
    %swap3A = arith.constant 0 : index
    %swap3A_197 = arith.constant 0 : index
    %swap3A_198 = vector.load %arg8[%swap3A, %swap3A_197] : memref<8x64xf32, #tpu.memory_space<vmem>>, vector<1x64xf32>
    tpu.vector_store %arg8[%swap3A, %swap3A_197], %dot_general3A_196 {strides = array<i32>} : memref<8x64xf32, #tpu.memory_space<vmem>>, vector<1x64xf32>,
    %slice3A_199 = vector.extract_strided_slice %get3A_5 {offsets = [0, 1023], sizes = [1, 1], strides = [1, 1]} : vector<1x1024xi32> to vector<1x1xi32>
    %squeeze3A_200 = vector.extract %slice3A_199[0, 0] : i32 from vector<1x1xi32>
    %swap3A_201 = arith.constant 0 : index
    %swap3A_202 = memref.load %arg9[%swap3A_201] : memref<4xi32, #tpu.memory_space<smem>>
    memref.store %squeeze3A_200, %arg9[%swap3A_201] : memref<4xi32, #tpu.memory_space<smem>>
    %slice3A_203 = vector.extract_strided_slice %add3A_68 {offsets = [0, 1023], sizes = [1, 1], strides = [1, 1]} : vector<1x1024xf32> to vector<1x1xf32>
    %squeeze3A_204 = vector.extract %slice3A_203[0, 0] : f32 from vector<1x1xf32>
    %convert_element_type3A_205 = arith.fptosi %squeeze3A_204 : f32 to i32
    %swap3A_206 = arith.constant 1 : index
    %swap3A_207 = memref.load %arg9[%swap3A_206] : memref<4xi32, #tpu.memory_space<smem>>
    memref.store %convert_element_type3A_205, %arg9[%swap3A_206] : memref<4xi32, #tpu.memory_space<smem>>
    %rem3A = arith.constant 2 : i32
    %rem3A_208 = arith.remsi %arg0, %rem3A : i32
    %convert_element_type3A_209 = arith.fptosi %squeeze3A : f32 to i32
    %swap3A_210 = arith.index_cast %rem3A_208 : i32 to index
    %swap3A_211 = arith.constant 0 : index
    %swap3A_212 = arith.constant 0 : index
    %swap3A_213 = vector.load %arg7[%swap3A_210, %swap3A_211, %swap3A_212] : memref<2x1024x64xf32, #tpu.memory_space<vmem>>, vector<1x1024x64xf32>
    %swap3A_214 = vector.shape_cast %swap3A_213 : vector<1x1024x64xf32> to vector<1024x64xf32>
    %swap3A_215 = vector.shape_cast %add3A_186 : vector<1024x64xf32> to vector<1x1024x64xf32>
    tpu.vector_store %arg7[%swap3A_210, %swap3A_211, %swap3A_212], %swap3A_215 {strides = array<i32>} : memref<2x1024x64xf32, #tpu.memory_space<vmem>>, vector<1x1024x64xf32>,
    %gt3A = arith.constant 0 : i32
    %gt3A_216 = arith.cmpi sgt, %arg0, %gt3A : i32
    %convert_element_type3A_217 = arith.extui %gt3A_216 : i1 to i32
    %cond3A_218 = arith.constant 0 : i32
    %cond3A_219 = arith.cmpi ne, %convert_element_type3A_217, %cond3A_218 : i32
    scf.if %cond3A_219 {
      %get3A_232 = arith.constant 2 : index
      %get3A_233 = memref.load %arg9[%get3A_232] : memref<4xi32, #tpu.memory_space<smem>>
      %sub3A_234 = arith.constant 1 : i32
      %sub3A_235 = arith.subi %sub3A_234, %rem3A_208 : i32
      %dma_wait3A = arith.constant 0 : i32
      %dma_wait3A_236 = tpu.memref_slice %arg6[%get3A_233, %dma_wait3A] : memref<200704x64xf32, #tpu.memory_space<any>> -> memref<1024x64xf32, #tpu.memory_space<any>>
      %dma_wait3A_237 = arith.constant 0 : i32
      %dma_wait3A_238 = arith.constant 0 : i32
      %dma_wait3A_239 = tpu.memref_slice %arg7[%sub3A_235, %dma_wait3A_237, %dma_wait3A_238] : memref<2x1024x64xf32, #tpu.memory_space<vmem>> -> memref<1x1024x64xf32, #tpu.memory_space<vmem>>
      %dma_wait3A_240 = tpu.memref_squeeze %dma_wait3A_239 : memref<1x1024x64xf32, #tpu.memory_space<vmem>> -> memref<1024x64xf32, #tpu.memory_space<vmem>>
      tpu.wait_dma2 semaphore(%arg10 : memref<!tpu.dma_semaphore, #tpu.memory_space<semaphore_mem>>) src(%dma_wait3A_240 : memref<1024x64xf32, #tpu.memory_space<vmem>>) dst(%dma_wait3A_236 : memref<1024x64xf32, #tpu.memory_space<any>>)
    } else {
    }
    %swap3A_220 = arith.constant 2 : index
    %swap3A_221 = memref.load %arg9[%swap3A_220] : memref<4xi32, #tpu.memory_space<smem>>
    memref.store %convert_element_type3A_209, %arg9[%swap3A_220] : memref<4xi32, #tpu.memory_space<smem>>
    %dma_start3A = arith.constant 0 : i32
    %dma_start3A_222 = tpu.memref_slice %arg6[%convert_element_type3A_209, %dma_start3A] : memref<200704x64xf32, #tpu.memory_space<any>> -> memref<1024x64xf32, #tpu.memory_space<any>>
    %dma_start3A_223 = arith.constant 0 : i32
    %dma_start3A_224 = arith.constant 0 : i32
    %dma_start3A_225 = tpu.memref_slice %arg7[%rem3A_208, %dma_start3A_223, %dma_start3A_224] : memref<2x1024x64xf32, #tpu.memory_space<vmem>> -> memref<1x1024x64xf32, #tpu.memory_space<vmem>>
    %dma_start3A_226 = tpu.memref_squeeze %dma_start3A_225 : memref<1x1024x64xf32, #tpu.memory_space<vmem>> -> memref<1024x64xf32, #tpu.memory_space<vmem>>
    tpu.enqueue_dma source(%dma_start3A_226 : memref<1024x64xf32, #tpu.memory_space<vmem>>) target(%dma_start3A_222 : memref<1024x64xf32, #tpu.memory_space<any>>) target_semaphore(%arg10 : memref<!tpu.dma_semaphore, #tpu.memory_space<semaphore_mem>>)
    %eq3A_227 = arith.constant 195 : i32
    %eq3A_228 = arith.cmpi eq, %arg0, %eq3A_227 : i32
    %convert_element_type3A_229 = arith.extui %eq3A_228 : i1 to i32
    %cond3A_230 = arith.constant 0 : i32
    %cond3A_231 = arith.cmpi ne, %convert_element_type3A_229, %cond3A_230 : i32
    scf.if %cond3A_231 {
      %dma_wait3A = arith.constant 0 : i32
      %dma_wait3A_232 = tpu.memref_slice %arg6[%convert_element_type3A_209, %dma_wait3A] : memref<200704x64xf32, #tpu.memory_space<any>> -> memref<1024x64xf32, #tpu.memory_space<any>>
      %dma_wait3A_233 = arith.constant 0 : i32
      %dma_wait3A_234 = arith.constant 0 : i32
      %dma_wait3A_235 = tpu.memref_slice %arg7[%rem3A_208, %dma_wait3A_233, %dma_wait3A_234] : memref<2x1024x64xf32, #tpu.memory_space<vmem>> -> memref<1x1024x64xf32, #tpu.memory_space<vmem>>
      %dma_wait3A_236 = tpu.memref_squeeze %dma_wait3A_235 : memref<1x1024x64xf32, #tpu.memory_space<vmem>> -> memref<1024x64xf32, #tpu.memory_space<vmem>>
      tpu.wait_dma2 semaphore(%arg10 : memref<!tpu.dma_semaphore, #tpu.memory_space<semaphore_mem>>) src(%dma_wait3A_236 : memref<1024x64xf32, #tpu.memory_space<vmem>>) dst(%dma_wait3A_232 : memref<1024x64xf32, #tpu.memory_space<any>>)
    } else {
    }
    return
  }
  func.func @transform_0(%arg0: i32) -> (i32, i32) {
    %c0_i32 = arith.constant 0 : i32
    %c0_i32_0 = arith.constant 0 : i32
    return %arg0, %c0_i32 : i32, i32
  }
  func.func @transform_1(%arg0: i32) -> (i32, i32) {
    %c0_i32 = arith.constant 0 : i32
    %c0_i32_0 = arith.constant 0 : i32
    %c0_i32_1 = arith.constant 0 : i32
    return %c0_i32, %c0_i32_0 : i32, i32
  }
  func.func @transform_2(%arg0: i32) -> (i32, i32, i32) {
    %c0_i32 = arith.constant 0 : i32
    %c0_i32_0 = arith.constant 0 : i32
    %c0_i32_1 = arith.constant 0 : i32
    return %arg0, %c0_i32, %c0_i32_0 : i32, i32, i32
  }
  func.func @transform_3(%arg0: i32) -> (i32, i32, i32) {
    %c0_i32 = arith.constant 0 : i32
    %c0_i32_0 = arith.constant 0 : i32
    %c0_i32_1 = arith.constant 0 : i32
    return %arg0, %c0_i32, %c0_i32_0 : i32, i32, i32
  }
}

</mosaic_0001>

<sc_bundles>
// kernel: gather_offload_async_start.1
scs
__scs_entry_jumppad:
0x0: {  	(pc) =	sbr.rel $0x88, $3  }
0x1: {  	(tag) =	ssettag $0x0;
	lr =	simm.s32 $0x1  }
0x2: {  	[smem:$0x3F9E] =	sst lr;
	_ =	strace $0xD0000000  }
0x3: {  	_ = 	snop  }
0x4: {  	_ = 	snop  }
0x5: {  	_ = 	snop  }
0x6: {  	_ = 	snop  }
0x7: {  	_ = 	snop  }
__scs_overlays_trampoline_lowered:
0x8: {  	[smem:$0x3FAD] =	sst s0  }
0x9: {  	[smem:$0x3FAE] =	sst s1  }
0xa: {  	[smem:$0x3FAF] =	sst s2  }
0xb: {  	[smem:$0x3FB0] =	sst s3  }
0xc: {  	[smem:$0x3FB1] =	sst s4  }
0xd: {  	[smem:$0x3FB2] =	sst s5  }
0xe: {  	[smem:$0x3FB3] =	sst s6  }
0xf: {  	[smem:$0x3FB4] =	sst s7  }
0x10: {  	[smem:$0x3FB5] =	sst s8  }
0x11: {  	[smem:$0x3FB6] =	sst s9;
	s0 =	simm.s32 @!p0 $0x0  }
0x12: {  	s1 =	sld [smem:$0x3F9C];
	s0 =	simm.s32 @p0 $0x1  }
0x13: {  	[smem:$0x3FB7] =	sst s0;
	s0 =	simm.s32 @!p1 $0x0  }
0x14: {  	s2 =	sld [smem:$0x3F9B];
	s0 =	simm.s32 @p1 $0x1  }
0x15: {  	[smem:$0x3FB8] =	sst s0;
	s0 =	simm.s32 @!p2 $0x0  }
0x16: {  	s3 =	sld [smem:$0x3FDB];
	s0 =	simm.s32 @p2 $0x1  }
0x17: {  	s4 =	simm.s32 $0x1BF5;
	[smem:$0x3FBA] =	sst s0  }
0x18: {  	s0 =	sld [smem:$0x3F9D];
	_ =	swait.ge [sflag:s4], $0x0  }
0x19: {  	s7 =	sld [smem:$0x3F9E]  }
0x1a: {  	s8 =	sadd.s32 $0xFFFFE003, lr  }
0x1b: {  	s9 =	sadd.s32 $0xFFFFFEF7, lr;
	s5 =	simm.s32 $0xFFFFFFFF;
	p2 =	slt.u32 s8, $0xFFFFF086  }
0x1c: {  	p1 =	slt.u32 s9, $0xF7A;
	s5 =	simm.s32 @!p2 $0x0  }
0x1d: {  	s5 =	simm.s32 @p1 $0x1;
	p0 =	seq.s32 s7, s2  }
0x1e: {  	s7 =	smul.u32 @!p0 $0xF7A, s2;
	p2 =	seq.s32 @!p0 s5, $0x0  }
0x1f: {  	s9 =	smul.u32 $0xF7A, s1;
	s8 =	simm.s32 @!p0 $0x1BF5;
	p2 =	por !p2, p0  }
0x20: {  	[sflag:s8] =	ssyncset.s32 @!p0 $0xFFFFF086;
	s6 =	sadd.s32 @!p0 s3, s7;
	s7 =	simm.s32 @!p0 $0x108  }
0x21: {  	s3 =	sadd.s32 s3, s9;
	s6 =	sadd.s32 @!p0 $0x88, s6;
	s7 =	simm.s32 @p2 $0x1082  }
0x22: {  	[simem:s7], [sflag:s8] =	dma.local @!p0 [hbm:s6], $0xF7A  }
0x23: {  	s9 =	sor.u32 $0xD0000000, s2;
	s6 =	simm.s32 $0x108;
	_ =	swait.ge @!p0 [sflag:s8], $0x0  }
0x24: {  	s3 =	sadd.s32 $0x88, s3;
	s6 =	simm.s32 @!p1 $0x1082;
	[sflag:s4] =	ssyncset.s32 $0xFFFFF086  }
0x25: {  	[simem:s6], [sflag:s4] =	dma.local [hbm:s3], $0xF7A  }
0x26: {  	[smem:$0x3F9E] =	sst s1;
	(tag) =	ssettag s2;
	_ =	strace s9  }
0x27: {  	s1 =	sld [smem:$0x3FAE]  }
0x28: {  	s2 =	sld [smem:$0x3FAF]  }
0x29: {  	s4 =	sld [smem:$0x3FB1]  }
0x2a: {  	p0 =	seq.s32 s5, $0x0;
	s5 =	sld [smem:$0x3FB2]  }
0x2b: {  	s6 =	sld [smem:$0x3FB3]  }
0x2c: {  	s7 =	sld [smem:$0x3FB4]  }
0x2d: {  	s3 =	simm.s32 $0x108;
	s8 =	sld [smem:$0x3FB5]  }
0x2e: {  	s3 =	simm.s32 @!p0 $0x1082;
	s9 =	sld [smem:$0x3FB6]  }
0x2f: {  	lr =	sadd.s32 s0, s3;
	s0 =	sld [smem:$0x3FAD]  }
0x30: {  	s3 =	sld [smem:$0x3FB0]  }
0x31: {  	[smem:$0x3FB9] =	sst s10  }
0x32: {  	s10 =	sld [smem:$0x3FB7];
	_ =	sdelay $0x3  }
0x33: {  	p0 =	seq.s32 s10, $0x1;
	s10 =	sld [smem:$0x3FB9];
	_ =	sdelay $0x3  }
0x34: {  	[smem:$0x3FB9] =	sst s10  }
0x35: {  	s10 =	sld [smem:$0x3FB8];
	_ =	sdelay $0x3  }
0x36: {  	p1 =	seq.s32 s10, $0x1;
	s10 =	sld [smem:$0x3FB9];
	_ =	sdelay $0x3  }
0x37: {  	[smem:$0x3FB9] =	sst s10  }
0x38: {  	s10 =	sld [smem:$0x3FBA]  }
0x39: {  	_ = 	snop;
	(pc) =	sbr.ind lr, $3  }
0x3a: {  	_ = 	snop  }
0x3b: {  	_ = 	snop  }
0x3c: {  	p2 =	seq.s32 s10, $0x1;
	s10 =	sld [smem:$0x3FB9]  }
0x3d: {  	_ =	shalt  }
0x3e: {  	_ =	shalt  }
0x3f: {  	_ =	shalt  }
0x40: {  	_ =	shalt  }
0x41: {  	_ =	shalt  }
0x42: {  	_ =	shalt  }
0x43: {  	_ =	shalt  }
0x44: {  	_ =	shalt  }
0x45: {  	_ =	shalt  }
0x46: {  	_ =	shalt  }
0x47: {  	_ =	shalt  }
0x48: {  	_ =	shalt  }
0x49: {  	_ =	shalt  }
0x4a: {  	_ =	shalt  }
0x4b: {  	_ =	shalt  }
0x4c: {  	_ =	shalt  }
0x4d: {  	_ =	shalt  }
0x4e: {  	_ =	shalt  }
0x4f: {  	_ =	shalt  }
0x50: {  	_ =	shalt  }
0x51: {  	_ =	shalt  }
0x52: {  	_ =	shalt  }
0x53: {  	_ =	shalt  }
0x54: {  	_ =	shalt  }
0x55: {  	_ =	shalt  }
0x56: {  	_ =	shalt  }
0x57: {  	_ =	shalt  }
0x58: {  	_ =	shalt  }
0x59: {  	_ =	shalt  }
0x5a: {  	_ =	shalt  }
0x5b: {  	_ =	shalt  }
0x5c: {  	_ =	shalt  }
0x5d: {  	_ =	shalt  }
0x5e: {  	_ =	shalt  }
0x5f: {  	_ =	shalt  }
0x60: {  	_ =	shalt  }
0x61: {  	_ =	shalt  }
0x62: {  	_ =	shalt  }
0x63: {  	_ =	shalt  }
0x64: {  	_ =	shalt  }
0x65: {  	_ =	shalt  }
0x66: {  	_ =	shalt  }
0x67: {  	_ =	shalt  }
0x68: {  	_ =	shalt  }
0x69: {  	_ =	shalt  }
0x6a: {  	_ =	shalt  }
0x6b: {  	_ =	shalt  }
0x6c: {  	_ =	shalt  }
0x6d: {  	_ =	shalt  }
0x6e: {  	_ =	shalt  }
0x6f: {  	_ =	shalt  }
0x70: {  	_ =	shalt  }
0x71: {  	_ =	shalt  }
0x72: {  	_ =	shalt  }
0x73: {  	_ =	shalt  }
0x74: {  	_ =	shalt  }
0x75: {  	_ =	shalt  }
0x76: {  	_ =	shalt  }
0x77: {  	_ =	shalt  }
0x78: {  	_ =	shalt  }
0x79: {  	_ =	shalt  }
0x7a: {  	_ =	shalt  }
0x7b: {  	_ =	shalt  }
0x7c: {  	_ =	shalt  }
0x7d: {  	_ =	shalt  }
0x7e: {  	_ =	shalt  }
0x7f: {  	_ =	shalt  }
0x80: {  	_ =	shalt  }
0x81: {  	_ =	shalt  }
0x82: {  	_ =	shalt  }
0x83: {  	_ =	shalt  }
0x84: {  	_ =	shalt  }
0x85: {  	_ =	shalt  }
0x86: {  	_ =	shalt  }
0x87: {  	_ =	shalt  }
.Lfunc_end0:
.L_simem_size_0:
called_computation.2_lowered:
.L_overlay_start_0:
0x88: {  	s2 =	sld [smem:$0x3FD9]  }
0x89: {  	s3 =	sld [smem:$0x3FFE];
	_ =	sdelay $0x1  }
0x8a: {  	s1 =	srdreg.scid  }
0x8b: {  	s0 =	sand.u32 $0x1, s1  }
0x8c: {  	s17 =	sshll.u32 s0, $0xA;
	s2 =	sadd.s32 s3, s2  }
0x8d: {  	s2 =	sadd.s32 s2, s17  }
0x8e: {  	[smem:$0x3FC5] =	sst s2  }
0x8f: {  	_ = 	snop  }
0x90: {  	s18 =	sld [smem:$0x3FD0];
	(tm) =	ssettm $0x1  }
0x91: {  	s19 =	sld [smem:$0x3FFB];
	_ =	sdelay $0x3  }
0x92: {  	_ =	strace s19  }
0x93: {  	s2 =	sld [smem:$0x3FFC];
	_ =	sdelay $0x3  }
0x94: {  	_ =	strace s2  }
0x95: {  	s2 =	sld [smem:$0x3FFD];
	_ =	sdelay $0x3  }
0x96: {  	_ =	strace s2  }
0x97: {  	_ =	strace $0x8FFFFFFF  }
0x98: {  	s20 =	sld [smem:$0x3FDB];
	_ =	sdelay $0x1  }
0x99: {  	s4 =	simm.s32 $_scs_section_size  }
0x9a: {  	s5 =	simm.s32 $_size__tile_overlayer_lowered;
	s6 =	simm.s32 $_tile_overlayer_lowered  }
0x9b: {  	s7 =	simm.s32 $0x1BFF;
	s21 =	sshll.u32 s6, $0x1;
	s4 =	sadd.s32 s4, s20  }
0x9c: {  	s22 =	simm.s32 $0x0;
	s5 =	sshll.u32 s5, $0x1;
	s6 =	sadd.s32 s21, s4  }
0x9d: {  	[timem:s22], [sflag:s7] =	dma.local [hbm:s6], s5  }
0x9e: {  	_ =	swait.ge [sflag:s7], s5  }
0x9f: {  	s5 =	ssub.s32 $0x0, s5;
	[sflag:s7] =	ssyncset.done $0x0  }
0xa0: {  	[sflag:s7] =	ssyncadd.s32 s5;
	_ =	sdelay $0x1  }
0xa1: {  	s23 =	simm.s32 $0x1B8B  }
0xa2: {  	_ =	swait.ge [sflag:s23], $0x1  }
0xa3: {  	[sflag:s23] =	ssyncset.done $0x0  }
0xa4: {  	[sflag:s23] =	ssyncadd.s32 $0xFFFFFFFF  }
0xa5: {  	s5 =	sld [smem:$0x0]  }
0xa6: {  	s6 =	sand.u32 $0xFFFFFFFE, s1  }
0xa7: {  	p0 =	sne.s32 s1, s6  }
0xa8: {  	s6 =	sshll.u32 @p0 s6, $0xE  }
0xa9: {  	s6 =	sadd.s32 @p0 $0x11B8D, s6;
	s7 =	sshll.u32 @p0 s5, $0x11  }
0xaa: {  	s6 =	sor.u32 @p0 s7, s6  }
0xab: {  	[sflag:s6] =	ssyncadd.remote.s32 @p0 $0x1;
	_ =	sdelay $0x1  }
0xac: {  	s6 =	simm.s32 @p0 $0x1B8D  }
0xad: {  	_ =	swait.eq @p0 [sflag:s6], $0x1  }
0xae: {  	[sflag:s6] =	ssyncadd.s32 @p0 $0xFFFFFFFF  }
0xaf: {  	s7 =	sshll.u32 @!p0 s1, $0xE  }
0xb0: {  	s7 =	sor.u32 @!p0 $0x4000, s7;
	s6 =	simm.s32 @!p0 $0x1B8D  }
0xb1: {  	s5 =	sshll.u32 @!p0 s5, $0x11;
	s7 =	sadd.s32 @!p0 $0x11B8D, s7;
	_ =	swait.eq @!p0 [sflag:s6], $0x1  }
0xb2: {  	s5 =	sor.u32 @!p0 s5, s7;
	[sflag:s6] =	ssyncadd.s32 @!p0 $0xFFFFFFFF  }
0xb3: {  	s25 =	simm.s32 $0x1B8E;
	s24 =	sld [smem:$0x3FFE];
	[sflag:s5] =	ssyncadd.remote.s32 @!p0 $0x1  }
0xb4: {  	s26 =	simm.s32 $execute0_lowered;
	[smem:$0x3FD2] =	sst s25  }
0xb5: {  	s6 =	sshll.u32 s26, $0x1;
	_ =	strace $0x8000004C;
	[dreg:$0x1] =	wrdreg $0xFFFFFFFF  }
0xb6: {  	s28 =	simm.s32 $_size_execute0_lowered;
	s4 =	sadd.s32 s4, s6;
	[dreg:$0x0] =	wrdreg $0x0  }
0xb7: {  	s6 =	sshll.u32 s28, $0x1;
	[dreg:$0x2] =	wrdreg s4  }
0xb8: {  	[dreg:$0x3] =	wrdreg s6  }
0xb9: {  	[dreg:$0x4] =	wrdreg $0xC0  }
0xba: {  	_ =	task [dreg:s22], $0x5FFFF  }
0xbb: {  	[dreg:$0x1] =	wrdreg $0xFFFFFFFF  }
0xbc: {  	[dreg:$0x0] =	wrdreg $0x60  }
0xbd: {  	[dreg:$0x2] =	wrdreg s24  }
0xbe: {  	[dreg:$0x3] =	wrdreg s18  }
0xbf: {  	[dreg:$0x4] =	wrdreg $0xA  }
0xc0: {  	_ =	task.clear_ibuf [dreg:s22], $0x5FFFF;
	_ =	strace $0x9000004C  }
0xc1: {  	s29 =	simm.s32 $0xA;
	_ =	strace $0x8000004E  }
0xc2: {  	_ =	swait.ge [sflag:s29], $0x1  }
0xc3: {  	[sflag:s29] =	ssyncadd.s32 $0xFFFFFFFF  }
0xc4: {  	_ =	strace $0x9000004E  }
0xc5: {  	_ =	sfence  }
0xc6: {  	s30 =	sld [smem:$0x0];
	_ =	sdelay $0x2  }
0xc7: {  	s31 =	sshll.u32 s1, $0xD;
	s1 =	sshrl.u32 s1, $0x2  }
0xc8: {  	s4 =	sand.u32 $0x4000, s31;
	s1 =	sadd.s32 s1, s30  }
0xc9: {  	s0 =	sor.u32 s4, s0;
	s1 =	sshll.u32 s1, $0x11  }
0xca: {  	s0 =	sor.u32 s1, s0  }
0xcb: {  	s0 =	sadd.s32 $0x8F2B, s0  }
0xcc: {  	[sflag:s0] =	ssyncadd.remote.s32 $0x1  }
0xcd: {  	_ =	sfence.sel $0xFFFF  }
0xce: {  	[dreg:$0x0] =	wrdreg $0xFFFFFFFF;
	(pc) =	sbr.abs _section_cstart, $3  }
0xcf: {  	[dreg:$0x1] =	wrdreg $0xFFFFFFFF  }
0xd0: {  	_ =	task.clear_ibuf [dreg:s22], $0x2FFFF;
	_ =	strace $0x9FFFFFFF  }
0xd1: {  	(tm) =	ssettm $0x7FFFFFFF  }
tec
execute0_lowered:
.L_overlay_start_1:
0x0: {  	(tag) =	ssettag $0x1  }
0x1: {  	s0 =	srdreg.scid  }
0x2: {  	s1 =	sshll.u32 s0, $0x4  }
0x3: {  	s0 =	stileid.u32;
	s1 =	sand.u32 $0x10, s1  }
0x4: {  	s2 =	sor.u32 s0, s1  }
0x5: {  	s1 =	smul.u32 $0xF, s2  }
0x6: {  	s3 =	smin.u32 s2, $0x14  }
0x7: {  	s1 =	sadd.s32 s3, s1  }
0x8: {  	p0 =	slt.u32 s2, $0x14;
	s2 =	simm.s32 $0x1900;
	s1 =	smul.u32 $0x190, s1  }
0x9: {  	s2 =	simm.s32 @!p0 $0x1770  }
0xa: {  	s2 =	sadd.s32 s2, s1  }
0xb: {  	s3 =	smin.u32 s2, $0x30D40  }
0xc: {  	s7 =	ssub.s32 s3, s1  }
0xd: {  	p0 =	sgt.s32 s7, $0x0  }
0xe: {  	s7 =	simm.s32 @!p0 $0x0  }
0xf: {  	s9 =	rddreg [dreg:$0x0];
	s31 =	smulhi.u32 $0x51EB851F, s7  }
0x10: {  	s4 =	rddreg [dreg:$0x1];
	s6 =	simm.s32 $0x1  }
0x11: {  	s11 =	simm.s32 $0x3;
	s13 =	simm.s32 $0x0;
	s8 =	sshrl.u32 s31, $0x7  }
0x12: {  	s12 =	simm.s32 $0x0;
	s5 =	sadd.s32 $0x18800, s9;
	s10 =	smul.u32 $0x190, s8  }
.Ltmp0:
0x13: {  	s9 =	sadd.s32 $0x325C00, s9;
	s2 =	rddreg [dreg:$0x2];
	(pc) =	sbr.rel .LBB2_1-.Ltmp0, $4  }
0x14: {  	_ =	strace $0x8000004D;
	p0 =	sne.s32 s7, s10;
	s10 =	simm.s32 $0x1  }
0x15: {  	[sflag:s6] =	ssyncpa.u1 $0x0;
	s7 =	simm.s32 $0x2;
	s10 =	simm.s32 @!p0 $0x0  }
0x16: {  	[sflag:s7] =	ssyncpa.u1 $0x0;
	p0 =	por $0x0, $0x0;
	s8 =	sadd.s32 s10, s8  }
0x17: {  	vm0 =	vmmov $0xff;
	vm1 =	vcmask $0x3F20;
	[sflag:s11] =	ssyncpa.u1 $0x0;
	s11 =	smov.u32 s1;
	s10 =	sadd.s32 $0x1, s8  }
.LBB2_6:
0x18: {  	[hbm:s17] =	stream.linear.scatter [tilespmem:s14], [sflag:$0x3], $0x400, $0x38;
	[tilespmem:$0x19320] =	vst v63  }
.LBB2_7:
0x19: {  	s13 =	sadd.s32 $0x190, s11  }
0x1a: {  	s15 =	smov.u32 s1;
	p2 =	slt.s32 s13, s3  }
0x1b: {  	s15 =	smov.u32 @p2 s13;
	p2 =	sne.s32 s12, s10  }
.Ltmp1:
0x1c: {  	p1 =	slt.u32 s12, $0x2;
	(pc) =	sbr.rel @!p2 .LBB2_8-.Ltmp1, $4  }
0x1d: {  	s14 =	simm.s32 @!p1 $0x3  }
0x1e: {  	s16 =	sadd.s32 $0x1, s12;
	_ =	swait.ge @!p1 [sflag:s14], $0xC800  }
0x1f: {  	p0 =	por !p0, !p0;
	s13 =	smov.u32 s11;
	[sflag:s14] =	ssyncset.done @!p1 $0x0  }
0x20: {  	s12 =	smov.u32 s16;
	s11 =	smov.u32 s15;
	[sflag:s14] =	ssyncadd.s32 @!p1 $0xFFFF3800  }
.LBB2_1:
0x21: {  	p1 =	sge.u32 s12, s8  }
0x22: {  	s14 =	sxor.u32 @!p1 $0xFFFFFFFF, s12  }
0x23: {  	s14 =	sand.u32 @!p1 $0x1, s14  }
0x24: {  	s14 =	smul.u32 @!p1 $0x640, s14  }
0x25: {  	s31 =	sadd.s32 $0xFFFFFFFF, s12;
	s15 =	sshrl.u32 @!p1 s11, $0x3  }
0x26: {  	s16 =	sand.u32 @!p1 $0x7, s11;
	s15 =	sadd.s32 @!p1 s4, s15;
	s14 =	sshrl.u32 @!p1 s14, $0x2  }
0x27: {  	[tilespmem:s14], [sflag:$0x2] =	stream.linear.gather @!p1 [hbm4b:s15+s16], $0x190, $0x38;
	[tilespmem:$0x19320] =	vst v63  }
0x28: {  	p1 =	sge.u32 s31, s8  }
.Ltmp2:
0x29: {  	_ = 	snop;
	(pc) =	sbr.rel @p1 .LBB2_7-.Ltmp2, $1  }
0x2a: {  	_ =	sdelay $0x3  }
0x2b: {  	s14 =	simm.s32 $0x1  }
0x2c: {  	s14 =	simm.s32 @!p0 $0x0  }
0x2d: {  	s15 =	smul.u32 $0x640, s14  }
0x2e: {  	_ =	swait.ge [sflag:s7], $0x190  }
0x2f: {  	[sflag:s7] =	ssyncset.done $0x0;
	s16 =	sshrl.u32 s15, $0x2  }
0x30: {  	[sflag:s7] =	ssyncadd.s32 $0xFFFFFE70;
	s15 =	sadd.s32 $0x0, s16  }
0x31: {  	v0 =	vld.msk [tilespmem:s15+$0x0 ss:$0x1], $0xffff;
	_ =	sdelay $0x4  }
0x32: {  	vm2 =	vgt.s32 v0, $0x0  }
0x33: {  	v0 =	vnsel vm2, $0x0, v0  }
0x34: {  	v0 =	vmin.u32 v0, $0x30D3F  }
0x35: {  	v0 =	vshll.u32 v0, $0x4  }
0x36: {  	s14 =	smul.u32 $0x32000, s14;
	_ =	sdelay $0x1  }
0x37: {  	s14 =	sshrl.u32 s14, $0x2  }
0x38: {  	s14 =	sor.u32 $0x320, s14  }
0x39: {  	[tilespmem:s14], [sflag:$0x1] =	stream.indirect_vreg.gather [hbm:s5], $0x80, v0, vm0, $0x38;
	[tilespmem:$0x19320] =	vst v63  }
0x3a: {  	s17 =	sadd.s32 $0x10, s16;
	s15 =	sadd.s32 $0x400, s14  }
0x3b: {  	[tilespmem:s15], [sflag:$0x1] =	stream.indirect_vreg.gather [hbm:s5], $0x80, v0, vm1, $0x38;
	[tilespmem:$0x19320] =	vst v63  }
0x3c: {  	s18 =	simm.s32 $0x80;
	v0 =	vld.msk [tilespmem:s17+$0x0 ss:$0x1], $0xffff;
	s17 =	smov.u32 s14  }
.LBB2_3:
0x3d: {  	p1 =	sne.s32 s18, $0x600;
	_ =	sdelay $0x4  }
0x3e: {  	vm2 =	vgt.s32 v0, $0x0  }
0x3f: {  	v0 =	vnsel vm2, $0x0, v0  }
0x40: {  	v0 =	vmin.u32 v0, $0x30D3F  }
0x41: {  	v0 =	vshll.u32 v0, $0x4;
	_ =	sdelay $0x3  }
.Ltmp3:
0x42: {  	s19 =	sshra.s32 s18, $0x2;
	s17 =	sadd.s32 $0x800, s17;
	(pc) =	sbr.rel @p1 .LBB2_3-.Ltmp3, $4  }
0x43: {  	[tilespmem:s17], [sflag:$0x1] =	stream.indirect_vreg.gather [hbm:s5], $0x80, v0, vm0, $0x38;
	[tilespmem:$0x19320] =	vst v63  }
0x44: {  	s19 =	sadd.s32 s19, s16;
	s20 =	sadd.s32 $0x400, s17  }
0x45: {  	[tilespmem:s20], [sflag:$0x1] =	stream.indirect_vreg.gather [hbm:s5], $0x80, v0, vm1, $0x38;
	[tilespmem:$0x19320] =	vst v63  }
0x46: {  	s18 =	sadd.s32 $0x40, s18;
	v0 =	vld.msk [tilespmem:s19+$0x0 ss:$0x1], $0xffff  }
0x47: {  	_ =	sdelay $0x3  }
0x48: {  	vm2 =	vgt.s32 v0, $0x0  }
0x49: {  	v0 =	vnsel vm2, $0x0, v0  }
0x4a: {  	v0 =	vmin.u32 v0, $0x30D3F  }
0x4b: {  	v0 =	vshll.u32 v0, $0x4;
	_ =	sdelay $0x3  }
0x4c: {  	s16 =	sadd.s32 $0x800, s17  }
0x4d: {  	[tilespmem:s16], [sflag:$0x1] =	stream.indirect_vreg.gather [hbm:s5], $0x80, v0, vm0, $0x38;
	[tilespmem:$0x19320] =	vst v63  }
0x4e: {  	s16 =	sadd.s32 $0x400, s16  }
0x4f: {  	[tilespmem:s16], [sflag:$0x1] =	stream.indirect_vreg.gather [hbm:s5], $0x80, v0, vm1, $0x38;
	[tilespmem:$0x19320] =	vst v63  }
0x50: {  	s13 =	sshll.u32 s13, $0x4;
	_ =	swait.ge [sflag:s6], $0xC800  }
0x51: {  	s13 =	sadd.s32 s13, s9;
	[sflag:s6] =	ssyncset.done $0x0  }
0x52: {  	s17 =	sadd.s32 $0x0, s13;
	s16 =	simm.s32 $0x80;
	[sflag:s6] =	ssyncadd.s32 $0xFFFF3800  }
.LBB2_5:
0x53: {  	[hbm:s17] =	stream.linear.scatter [tilespmem:s14], [sflag:$0x3], $0x400, $0x38;
	[tilespmem:$0x19320] =	vst v63  }
0x54: {  	s17 =	smov.u32 s16;
	s14 =	smov.u32 s15;
	p1 =	sne.s32 s16, $0x1880  }
.Ltmp4:
0x55: {  	s16 =	sadd.s32 $0x80, s16;
	(pc) =	sbr.rel @p1 .LBB2_5-.Ltmp4, $2  }
0x56: {  	_ =	sdelay $0x2  }
0x57: {  	s15 =	sadd.s32 $0x400, s15;
	s17 =	sadd.s32 s17, s13  }
.Ltmp5:
0x58: {  	_ = 	snop;
	(pc) =	sbr.rel .LBB2_6-.Ltmp5, $1  }
0x59: {  	_ =	sdelay $0x3  }
.LBB2_8:
0x5a: {  	_ =	sfence.sel $0x180000  }
0x5b: {  	s1 =	simm.s32 $0x2;
	[bflag:$0x0] =	sbarrier.arrive $0xFFFF  }
0x5c: {  	s30 =	simm.s32 $0x3;
	[sflag:s1] =	ssyncpa.u1 $0x1  }
0x5d: {  	s31 =	simm.s32 $0x1;
	[sflag:s30] =	ssyncpa.u1 $0x1  }
0x5e: {  	[sflag:s31] =	ssyncpa.u1 $0x1  }
0x5f: {  	p0 =	sne.s32 s0, $0x0;
	_ =	strace $0x9000004D  }
0x60: {  	s0 =	sadd.s32 @!p0 $0x100000, s2;
	[bflag:$0x2] =	sbarrier.arrive $0xFFFF  }
0x61: {  	[sflag:s0] =	ssyncadd.tile.s32 @!p0 $0x1;
	_ =	shalt  }
.Lfunc_end2:
_tile_overlayer_lowered:
.L_overlay_start_2:
0x62: {  	(tag) =	ssettag $0x2  }
0x63: {  	s0 =	rddreg [dreg:$0x0];
	s2 =	stileid.u32  }
0x64: {  	s1 =	rddreg [dreg:$0x1];
	p0 =	sne.s32 s2, $0x0  }
0x65: {  	s3 =	rddreg [dreg:$0x2];
	[bflag:$0x3] =	sbarrier.arrive $0xFFFF;
	s2 =	simm.s32 @!p0 $0x1C01  }
0x66: {  	[timem:s3], [sflag:s2] =	dma.local @!p0 [hbm:s0], s1  }
0x67: {  	s0 =	simm.s32 @!p0 $0x1  }
0x68: {  	_ =	swait.ge @!p0 [sflag:s0], s1  }
0x69: {  	s1 =	ssub.s32 @!p0 $0x0, s1;
	[sflag:s0] =	ssyncset.done @!p0 $0x0  }
0x6a: {  	[sflag:s0] =	ssyncadd.s32 @!p0 s1  }
0x6b: {  	[bflag:$0x3] =	sbarrier.arrive $0xFFFF  }
0x6c: {  	_ =	shalt  }

// kernel: gather_offload_async_start.2
scs
__scs_entry_jumppad:
0x0: {  	(pc) =	sbr.rel $0x88, $3  }
0x1: {  	(tag) =	ssettag $0x0;
	lr =	simm.s32 $0x1  }
0x2: {  	[smem:$0x3F9E] =	sst lr;
	_ =	strace $0xD0000000  }
0x3: {  	_ = 	snop  }
0x4: {  	_ = 	snop  }
0x5: {  	_ = 	snop  }
0x6: {  	_ = 	snop  }
0x7: {  	_ = 	snop  }
__scs_overlays_trampoline_lowered:
0x8: {  	[smem:$0x3FAD] =	sst s0  }
0x9: {  	[smem:$0x3FAE] =	sst s1  }
0xa: {  	[smem:$0x3FAF] =	sst s2  }
0xb: {  	[smem:$0x3FB0] =	sst s3  }
0xc: {  	[smem:$0x3FB1] =	sst s4  }
0xd: {  	[smem:$0x3FB2] =	sst s5  }
0xe: {  	[smem:$0x3FB3] =	sst s6  }
0xf: {  	[smem:$0x3FB4] =	sst s7  }
0x10: {  	[smem:$0x3FB5] =	sst s8  }
0x11: {  	[smem:$0x3FB6] =	sst s9;
	s0 =	simm.s32 @!p0 $0x0  }
0x12: {  	s1 =	sld [smem:$0x3F9C];
	s0 =	simm.s32 @p0 $0x1  }
0x13: {  	[smem:$0x3FB7] =	sst s0;
	s0 =	simm.s32 @!p1 $0x0  }
0x14: {  	s2 =	sld [smem:$0x3F9B];
	s0 =	simm.s32 @p1 $0x1  }
0x15: {  	[smem:$0x3FB8] =	sst s0;
	s0 =	simm.s32 @!p2 $0x0  }
0x16: {  	s3 =	sld [smem:$0x3FDB];
	s0 =	simm.s32 @p2 $0x1  }
0x17: {  	s4 =	simm.s32 $0x1BF5;
	[smem:$0x3FBA] =	sst s0  }
0x18: {  	s0 =	sld [smem:$0x3F9D];
	_ =	swait.ge [sflag:s4], $0x0  }
0x19: {  	s7 =	sld [smem:$0x3F9E]  }
0x1a: {  	s8 =	sadd.s32 $0xFFFFE003, lr  }
0x1b: {  	s9 =	sadd.s32 $0xFFFFFEF7, lr;
	s5 =	simm.s32 $0xFFFFFFFF;
	p2 =	slt.u32 s8, $0xFFFFF086  }
0x1c: {  	p1 =	slt.u32 s9, $0xF7A;
	s5 =	simm.s32 @!p2 $0x0  }
0x1d: {  	s5 =	simm.s32 @p1 $0x1;
	p0 =	seq.s32 s7, s2  }
0x1e: {  	s7 =	smul.u32 @!p0 $0xF7A, s2;
	p2 =	seq.s32 @!p0 s5, $0x0  }
0x1f: {  	s9 =	smul.u32 $0xF7A, s1;
	s8 =	simm.s32 @!p0 $0x1BF5;
	p2 =	por !p2, p0  }
0x20: {  	[sflag:s8] =	ssyncset.s32 @!p0 $0xFFFFF086;
	s6 =	sadd.s32 @!p0 s3, s7;
	s7 =	simm.s32 @!p0 $0x108  }
0x21: {  	s3 =	sadd.s32 s3, s9;
	s6 =	sadd.s32 @!p0 $0x88, s6;
	s7 =	simm.s32 @p2 $0x1082  }
0x22: {  	[simem:s7], [sflag:s8] =	dma.local @!p0 [hbm:s6], $0xF7A  }
0x23: {  	s9 =	sor.u32 $0xD0000000, s2;
	s6 =	simm.s32 $0x108;
	_ =	swait.ge @!p0 [sflag:s8], $0x0  }
0x24: {  	s3 =	sadd.s32 $0x88, s3;
	s6 =	simm.s32 @!p1 $0x1082;
	[sflag:s4] =	ssyncset.s32 $0xFFFFF086  }
0x25: {  	[simem:s6], [sflag:s4] =	dma.local [hbm:s3], $0xF7A  }
0x26: {  	[smem:$0x3F9E] =	sst s1;
	(tag) =	ssettag s2;
	_ =	strace s9  }
0x27: {  	s1 =	sld [smem:$0x3FAE]  }
0x28: {  	s2 =	sld [smem:$0x3FAF]  }
0x29: {  	s4 =	sld [smem:$0x3FB1]  }
0x2a: {  	p0 =	seq.s32 s5, $0x0;
	s5 =	sld [smem:$0x3FB2]  }
0x2b: {  	s6 =	sld [smem:$0x3FB3]  }
0x2c: {  	s7 =	sld [smem:$0x3FB4]  }
0x2d: {  	s3 =	simm.s32 $0x108;
	s8 =	sld [smem:$0x3FB5]  }
0x2e: {  	s3 =	simm.s32 @!p0 $0x1082;
	s9 =	sld [smem:$0x3FB6]  }
0x2f: {  	lr =	sadd.s32 s0, s3;
	s0 =	sld [smem:$0x3FAD]  }
0x30: {  	s3 =	sld [smem:$0x3FB0]  }
0x31: {  	[smem:$0x3FB9] =	sst s10  }
0x32: {  	s10 =	sld [smem:$0x3FB7];
	_ =	sdelay $0x3  }
0x33: {  	p0 =	seq.s32 s10, $0x1;
	s10 =	sld [smem:$0x3FB9];
	_ =	sdelay $0x3  }
0x34: {  	[smem:$0x3FB9] =	sst s10  }
0x35: {  	s10 =	sld [smem:$0x3FB8];
	_ =	sdelay $0x3  }
0x36: {  	p1 =	seq.s32 s10, $0x1;
	s10 =	sld [smem:$0x3FB9];
	_ =	sdelay $0x3  }
0x37: {  	[smem:$0x3FB9] =	sst s10  }
0x38: {  	s10 =	sld [smem:$0x3FBA]  }
0x39: {  	_ = 	snop;
	(pc) =	sbr.ind lr, $3  }
0x3a: {  	_ = 	snop  }
0x3b: {  	_ = 	snop  }
0x3c: {  	p2 =	seq.s32 s10, $0x1;
	s10 =	sld [smem:$0x3FB9]  }
0x3d: {  	_ =	shalt  }
0x3e: {  	_ =	shalt  }
0x3f: {  	_ =	shalt  }
0x40: {  	_ =	shalt  }
0x41: {  	_ =	shalt  }
0x42: {  	_ =	shalt  }
0x43: {  	_ =	shalt  }
0x44: {  	_ =	shalt  }
0x45: {  	_ =	shalt  }
0x46: {  	_ =	shalt  }
0x47: {  	_ =	shalt  }
0x48: {  	_ =	shalt  }
0x49: {  	_ =	shalt  }
0x4a: {  	_ =	shalt  }
0x4b: {  	_ =	shalt  }
0x4c: {  	_ =	shalt  }
0x4d: {  	_ =	shalt  }
0x4e: {  	_ =	shalt  }
0x4f: {  	_ =	shalt  }
0x50: {  	_ =	shalt  }
0x51: {  	_ =	shalt  }
0x52: {  	_ =	shalt  }
0x53: {  	_ =	shalt  }
0x54: {  	_ =	shalt  }
0x55: {  	_ =	shalt  }
0x56: {  	_ =	shalt  }
0x57: {  	_ =	shalt  }
0x58: {  	_ =	shalt  }
0x59: {  	_ =	shalt  }
0x5a: {  	_ =	shalt  }
0x5b: {  	_ =	shalt  }
0x5c: {  	_ =	shalt  }
0x5d: {  	_ =	shalt  }
0x5e: {  	_ =	shalt  }
0x5f: {  	_ =	shalt  }
0x60: {  	_ =	shalt  }
0x61: {  	_ =	shalt  }
0x62: {  	_ =	shalt  }
0x63: {  	_ =	shalt  }
0x64: {  	_ =	shalt  }
0x65: {  	_ =	shalt  }
0x66: {  	_ =	shalt  }
0x67: {  	_ =	shalt  }
0x68: {  	_ =	shalt  }
0x69: {  	_ =	shalt  }
0x6a: {  	_ =	shalt  }
0x6b: {  	_ =	shalt  }
0x6c: {  	_ =	shalt  }
0x6d: {  	_ =	shalt  }
0x6e: {  	_ =	shalt  }
0x6f: {  	_ =	shalt  }
0x70: {  	_ =	shalt  }
0x71: {  	_ =	shalt  }
0x72: {  	_ =	shalt  }
0x73: {  	_ =	shalt  }
0x74: {  	_ =	shalt  }
0x75: {  	_ =	shalt  }
0x76: {  	_ =	shalt  }
0x77: {  	_ =	shalt  }
0x78: {  	_ =	shalt  }
0x79: {  	_ =	shalt  }
0x7a: {  	_ =	shalt  }
0x7b: {  	_ =	shalt  }
0x7c: {  	_ =	shalt  }
0x7d: {  	_ =	shalt  }
0x7e: {  	_ =	shalt  }
0x7f: {  	_ =	shalt  }
0x80: {  	_ =	shalt  }
0x81: {  	_ =	shalt  }
0x82: {  	_ =	shalt  }
0x83: {  	_ =	shalt  }
0x84: {  	_ =	shalt  }
0x85: {  	_ =	shalt  }
0x86: {  	_ =	shalt  }
0x87: {  	_ =	shalt  }
.Lfunc_end0:
.L_simem_size_0:
called_computation.3_lowered:
.L_overlay_start_0:
0x88: {  	s2 =	sld [smem:$0x3FD9]  }
0x89: {  	s3 =	sld [smem:$0x3FFE];
	_ =	sdelay $0x1  }
0x8a: {  	s1 =	srdreg.scid  }
0x8b: {  	s0 =	sand.u32 $0x1, s1  }
0x8c: {  	s17 =	sshll.u32 s0, $0xA;
	s2 =	sadd.s32 s3, s2  }
0x8d: {  	s2 =	sadd.s32 s2, s17  }
0x8e: {  	[smem:$0x3FC5] =	sst s2  }
0x8f: {  	_ = 	snop  }
0x90: {  	s2 =	sld [smem:$0x3FD0];
	(tm) =	ssettm $0x1  }
0x91: {  	s18 =	sld [smem:$0x3FFB];
	_ =	sdelay $0x3  }
0x92: {  	_ =	strace s18  }
0x93: {  	s3 =	sld [smem:$0x3FFC];
	_ =	sdelay $0x3  }
0x94: {  	_ =	strace s3  }
0x95: {  	s3 =	sld [smem:$0x3FFD];
	_ =	sdelay $0x3  }
0x96: {  	_ =	strace s3  }
0x97: {  	_ =	strace $0x8FFFFFFF  }
0x98: {  	s19 =	sld [smem:$0x3FDB];
	_ =	sdelay $0x1  }
0x99: {  	s4 =	simm.s32 $_scs_section_size  }
0x9a: {  	s5 =	simm.s32 $_size__tile_overlayer_lowered;
	s6 =	simm.s32 $_tile_overlayer_lowered  }
0x9b: {  	s22 =	simm.s32 $0x1BFF;
	s21 =	sshll.u32 s6, $0x1;
	s3 =	sadd.s32 s4, s19  }
0x9c: {  	s7 =	simm.s32 $0x0;
	s20 =	sshll.u32 s5, $0x1;
	s5 =	sadd.s32 s21, s3  }
0x9d: {  	[timem:s7], [sflag:s22] =	dma.local [hbm:s5], s20  }
0x9e: {  	_ =	swait.ge [sflag:s22], s20  }
0x9f: {  	s4 =	ssub.s32 $0x0, s20;
	[sflag:s22] =	ssyncset.done $0x0  }
0xa0: {  	[sflag:s22] =	ssyncadd.s32 s4;
	_ =	sdelay $0x1  }
0xa1: {  	s23 =	simm.s32 $0x1B8B  }
0xa2: {  	_ =	swait.ge [sflag:s23], $0x1  }
0xa3: {  	[sflag:s23] =	ssyncset.done $0x0  }
0xa4: {  	s25 =	simm.s32 $0x1B8E;
	s24 =	sld [smem:$0x3FFE];
	[sflag:s23] =	ssyncadd.s32 $0xFFFFFFFF  }
0xa5: {  	s26 =	simm.s32 $execute0_lowered;
	[smem:$0x3FD2] =	sst s25  }
0xa6: {  	s5 =	sshll.u32 s26, $0x1;
	_ =	strace $0x80000046;
	[dreg:$0x1] =	wrdreg $0xFFFFFFFF  }
0xa7: {  	s28 =	simm.s32 $_size_execute0_lowered;
	s3 =	sadd.s32 s3, s5;
	[dreg:$0x0] =	wrdreg $0x0  }
0xa8: {  	s5 =	sshll.u32 s28, $0x1;
	[dreg:$0x2] =	wrdreg s3  }
0xa9: {  	[dreg:$0x3] =	wrdreg s5  }
0xaa: {  	[dreg:$0x4] =	wrdreg $0xC0  }
0xab: {  	_ =	task [dreg:s7], $0x5FFFF  }
0xac: {  	[dreg:$0x1] =	wrdreg $0xFFFFFFFF  }
0xad: {  	[dreg:$0x0] =	wrdreg $0x60  }
0xae: {  	[dreg:$0x2] =	wrdreg s24  }
0xaf: {  	[dreg:$0x3] =	wrdreg s2  }
0xb0: {  	[dreg:$0x4] =	wrdreg $0xB  }
0xb1: {  	_ =	task.clear_ibuf [dreg:s7], $0x5FFFF;
	_ =	strace $0x90000046  }
0xb2: {  	s29 =	simm.s32 $0xB;
	_ =	strace $0x80000048  }
0xb3: {  	_ =	swait.ge [sflag:s29], $0x1  }
0xb4: {  	[sflag:s29] =	ssyncadd.s32 $0xFFFFFFFF  }
0xb5: {  	_ =	strace $0x90000048  }
0xb6: {  	_ =	sfence  }
0xb7: {  	s30 =	sld [smem:$0x0];
	_ =	sdelay $0x2  }
0xb8: {  	s31 =	sshll.u32 s1, $0xD;
	s1 =	sshrl.u32 s1, $0x2  }
0xb9: {  	s3 =	sand.u32 $0x4000, s31;
	s1 =	sadd.s32 s1, s30  }
0xba: {  	s0 =	sor.u32 s3, s0;
	s1 =	sshll.u32 s1, $0x11  }
0xbb: {  	s0 =	sor.u32 s1, s0  }
0xbc: {  	s0 =	sadd.s32 $0x8F2B, s0  }
0xbd: {  	[sflag:s0] =	ssyncadd.remote.s32 $0x1  }
0xbe: {  	_ =	sfence.sel $0xFFFF  }
0xbf: {  	[dreg:$0x0] =	wrdreg $0xFFFFFFFF;
	(pc) =	sbr.abs _section_cstart, $3  }
0xc0: {  	[dreg:$0x1] =	wrdreg $0xFFFFFFFF  }
0xc1: {  	_ =	task.clear_ibuf [dreg:s7], $0x2FFFF;
	_ =	strace $0x9FFFFFFF  }
0xc2: {  	(tm) =	ssettm $0x7FFFFFFF  }
0xc3: {  	_ =	shalt  }
tec
execute0_lowered:
.L_overlay_start_1:
0x0: {  	(tag) =	ssettag $0x1  }
0x1: {  	s2 =	rddreg [dreg:$0x0]  }
0x2: {  	s3 =	rddreg [dreg:$0x1];
	s1 =	stileid.u32  }
0x3: {  	s4 =	srdreg.scid;
	s0 =	rddreg [dreg:$0x2];
	_ =	strace $0x80000047  }
0x4: {  	s7 =	simm.s32 $0x1;
	s8 =	simm.s32 $0x1;
	s9 =	simm.s32 $0x3  }
0x5: {  	s10 =	simm.s32 $0x0;
	s5 =	sand.u32 $0x1, s4;
	s6 =	sshll.u32 s1, $0x1  }
0x6: {  	s13 =	simm.s32 $0x0;
	s4 =	simm.s32 $0x1;
	s5 =	sor.u32 s6, s5  }
.Ltmp0:
0x7: {  	[sflag:s4] =	ssyncpa.u1 $0x0;
	p0 =	slt.u32 s5, $0x13;
	(pc) =	sbr.rel .LBB2_1-.Ltmp0, $4  }
0x8: {  	s6 =	simm.s32 $0x2;
	s7 =	simm.s32 @!p0 $0x0;
	p0 =	sne.s32 s5, $0x12  }
0x9: {  	[sflag:s6] =	ssyncpa.u1 $0x0;
	s5 =	smul.u32 $0xFA0, s5;
	s8 =	simm.s32 @!p0 $0x0  }
0xa: {  	s12 =	simm.s32 $0x0;
	[sflag:s9] =	ssyncpa.u1 $0x0;
	s7 =	sadd.s32 s8, s7  }
0xb: {  	vm0 =	vmmov $0xffff;
	s8 =	sadd.s32 $0xC400, s2;
	s11 =	smov.u32 s5;
	s9 =	sadd.s32 $0x1, s7  }
.LBB2_4:
0xc: {  	v2 =	vnsel vm1, $0x0, v2  }
0xd: {  	vm1 =	vgt.s32 v0, $0x0;
	v2 =	vmin.u32 v2, $0x30D3F  }
0xe: {  	v0 =	vnsel vm1, $0x0, v0  }
0xf: {  	v0 =	vmin.u32 v0, $0x30D3F  }
0x10: {  	[tilespmem:s18], [sflag:$0x1] =	stream.indirect_vreg.gather [hbm4b:s2+s10], $0x1, v1, vm0, $0x4038;
	[tilespmem:$0x3E80] =	vst v63  }
0x11: {  	(ifvalue) =	ssetifvalue $0x7FFFFFFF  }
0x12: {  	[tilespmem:s15], [sflag:$0x1] =	stream.indirect_vreg.gather [hbm4b:s2+s10], $0x1, v2, vm0, $0x4038;
	[tilespmem:$0x3E80] =	vst v63  }
0x13: {  	s29 =	sadd.s32 $0x10, s15;
	(ifvalue) =	ssetifvalue $0x7FFFFFFF  }
0x14: {  	[tilespmem:s29], [sflag:$0x1] =	stream.indirect_vreg.gather [hbm4b:s2+s10], $0x1, v0, vm0, $0x4038;
	[tilespmem:$0x3E80] =	vst v63  }
0x15: {  	_ =	swait.ge [sflag:s4], $0xFA0  }
0x16: {  	s30 =	sshrl.u32 s13, $0x3;
	[sflag:s4] =	ssyncset.done $0x0  }
0x17: {  	s31 =	sand.u32 $0x7, s13;
	s15 =	sadd.s32 s8, s30;
	[sflag:s4] =	ssyncadd.s32 $0xFFFFF060  }
0x18: {  	[hbm4b:s15+s31] =	stream.linear.scatter [tilespmem:s14], [sflag:$0x3], $0xFA0, $0x38;
	[tilespmem:$0x3E80] =	vst v63  }
.LBB2_5:
0x19: {  	s15 =	sadd.s32 $0x1F400, s11  }
0x1a: {  	p1 =	sgt.s32 s15, $0x30D3F  }
0x1b: {  	s15 =	smov.u32 @p1 s5;
	p1 =	sne.s32 s12, s9  }
.Ltmp1:
0x1c: {  	p0 =	slt.u32 s12, $0x2;
	(pc) =	sbr.rel @!p1 .LBB2_6-.Ltmp1, $4  }
0x1d: {  	s14 =	simm.s32 @!p0 $0x3  }
0x1e: {  	_ =	swait.ge @!p0 [sflag:s14], $0xFA0  }
0x1f: {  	s16 =	sadd.s32 $0x1, s12;
	s13 =	smov.u32 s11;
	[sflag:s14] =	ssyncset.done @!p0 $0x0  }
0x20: {  	s12 =	smov.u32 s16;
	s11 =	smov.u32 s15;
	[sflag:s14] =	ssyncadd.s32 @!p0 $0xFFFFF060  }
.LBB2_1:
0x21: {  	p0 =	sge.u32 s12, s7  }
0x22: {  	s14 =	sxor.u32 @!p0 $0x1, s12  }
0x23: {  	s14 =	smul.u32 @!p0 $0x3E80, s14  }
0x24: {  	s31 =	sadd.s32 $0xFFFFFFFF, s12;
	s15 =	sshrl.u32 @!p0 s11, $0x3  }
0x25: {  	s16 =	sand.u32 @!p0 $0x7, s11;
	s15 =	sadd.s32 @!p0 s3, s15;
	s14 =	sshra.s32 @!p0 s14, $0x2  }
0x26: {  	[tilespmem:s14], [sflag:$0x2] =	stream.linear.gather @!p0 [hbm4b:s15+s16], $0xFA0, $0x38;
	[tilespmem:$0x3E80] =	vst v63  }
0x27: {  	p0 =	sge.u32 s31, s7  }
.Ltmp2:
0x28: {  	_ = 	snop;
	(pc) =	sbr.rel @p0 .LBB2_5-.Ltmp2, $1  }
0x29: {  	_ =	sdelay $0x3  }
0x2a: {  	s14 =	sand.u32 $0x1, s12  }
0x2b: {  	_ =	swait.ge [sflag:s6], $0xFA0;
	p0 =	seq.s32 s14, $0x1;
	s14 =	simm.s32 $0xFA0  }
0x2c: {  	[sflag:s6] =	ssyncset.done $0x0;
	s14 =	simm.s32 @!p0 $0x0  }
0x2d: {  	[sflag:s6] =	ssyncadd.s32 $0xFFFFF060;
	(ifvalue) =	ssetifvalue $0x7FFFFFFF;
	v0 =	vld.msk [tilespmem:s14+$0x0 ss:$0x1], $0xffff;
	_ =	sdelay $0x4  }
0x2e: {  	s15 =	sadd.s32 $0x10, s14;
	vm1 =	vgt.s32 v0, $0x0  }
0x2f: {  	v2 =	vld.msk [tilespmem:s15+$0x0 ss:$0x1], $0xffff;
	v1 =	vnsel vm1, $0x0, v0  }
0x30: {  	v1 =	vmin.u32 v1, $0x30D3F;
	_ =	sdelay $0x2  }
0x31: {  	s17 =	simm.s32 $0x20;
	s14 =	sadd.s32 $0x1F40, s14;
	s16 =	sadd.s32 $0x10, s15  }
0x32: {  	s15 =	sadd.s32 $0x10, s14;
	s18 =	smov.u32 s14;
	v0 =	vld.msk [tilespmem:s16+$0x0 ss:$0x1], $0xffff;
	vm1 =	vgt.s32 v2, $0x0;
	(ifvalue) =	ssetifvalue $0x7FFFFFFF  }
.LBB2_3:
0x33: {  	[tilespmem:s18], [sflag:$0x1] =	stream.indirect_vreg.gather [hbm4b:s2+s10], $0x1, v1, vm0, $0x4038;
	[tilespmem:$0x3E80] =	vst v63  }
0x34: {  	s17 =	sadd.s32 $0x10, s17  }
0x35: {  	v2 =	vnsel vm1, $0x0, v2;
	p0 =	slt.u32 s17, $0xF90  }
.Ltmp3:
0x36: {  	s18 =	smov.u32 s15;
	v1 =	vmin.u32 v2, $0x30D3F;
	(pc) =	sbr.rel @p0 .LBB2_3-.Ltmp3, $3  }
0x37: {  	_ =	sdelay $0x1  }
0x38: {  	s16 =	sadd.s32 $0x10, s16  }
0x39: {  	vm1 =	vgt.s32 v0, $0x0;
	s15 =	sadd.s32 $0x10, s15;
	v2 =	vmov v0;
	(ifvalue) =	ssetifvalue $0x7FFFFFFF;
	v0 =	vld.msk [tilespmem:s16+$0x0 ss:$0x1], $0xffff  }
.Ltmp4:
0x3a: {  	_ = 	snop;
	(pc) =	sbr.rel .LBB2_4-.Ltmp4, $1  }
0x3b: {  	_ =	sdelay $0x3  }
.LBB2_6:
0x3c: {  	_ =	sfence.sel $0x180000  }
0x3d: {  	s2 =	simm.s32 $0x2;
	[bflag:$0x0] =	sbarrier.arrive $0xFFFF  }
0x3e: {  	s30 =	simm.s32 $0x3;
	[sflag:s2] =	ssyncpa.u1 $0x1  }
0x3f: {  	s31 =	simm.s32 $0x1;
	[sflag:s30] =	ssyncpa.u1 $0x1  }
0x40: {  	[sflag:s31] =	ssyncpa.u1 $0x1  }
0x41: {  	p0 =	sne.s32 s1, $0x0;
	_ =	strace $0x90000047  }
0x42: {  	s0 =	sadd.s32 @!p0 $0x100000, s0;
	[bflag:$0x2] =	sbarrier.arrive $0xFFFF  }
0x43: {  	[sflag:s0] =	ssyncadd.tile.s32 @!p0 $0x1;
	_ =	shalt  }
.Lfunc_end2:
_tile_overlayer_lowered:
.L_overlay_start_2:
0x44: {  	(tag) =	ssettag $0x2  }
0x45: {  	s0 =	rddreg [dreg:$0x0];
	s2 =	stileid.u32  }
0x46: {  	s1 =	rddreg [dreg:$0x1];
	p0 =	sne.s32 s2, $0x0  }
0x47: {  	s3 =	rddreg [dreg:$0x2];
	[bflag:$0x3] =	sbarrier.arrive $0xFFFF;
	s2 =	simm.s32 @!p0 $0x1C01  }
0x48: {  	[timem:s3], [sflag:s2] =	dma.local @!p0 [hbm:s0], s1  }
0x49: {  	s0 =	simm.s32 @!p0 $0x1  }
0x4a: {  	_ =	swait.ge @!p0 [sflag:s0], s1  }
0x4b: {  	s1 =	ssub.s32 @!p0 $0x0, s1;
	[sflag:s0] =	ssyncset.done @!p0 $0x0  }
0x4c: {  	[sflag:s0] =	ssyncadd.s32 @!p0 s1  }
0x4d: {  	[bflag:$0x3] =	sbarrier.arrive $0xFFFF  }
0x4e: {  	_ =	shalt  }

// kernel: gather_offload_async_start
scs
__scs_entry_jumppad:
0x0: {  	(pc) =	sbr.rel $0x88, $3  }
0x1: {  	(tag) =	ssettag $0x0;
	lr =	simm.s32 $0x1  }
0x2: {  	[smem:$0x3F9E] =	sst lr;
	_ =	strace $0xD0000000  }
0x3: {  	_ = 	snop  }
0x4: {  	_ = 	snop  }
0x5: {  	_ = 	snop  }
0x6: {  	_ = 	snop  }
0x7: {  	_ = 	snop  }
__scs_overlays_trampoline_lowered:
0x8: {  	[smem:$0x3FAD] =	sst s0  }
0x9: {  	[smem:$0x3FAE] =	sst s1  }
0xa: {  	[smem:$0x3FAF] =	sst s2  }
0xb: {  	[smem:$0x3FB0] =	sst s3  }
0xc: {  	[smem:$0x3FB1] =	sst s4  }
0xd: {  	[smem:$0x3FB2] =	sst s5  }
0xe: {  	[smem:$0x3FB3] =	sst s6  }
0xf: {  	[smem:$0x3FB4] =	sst s7  }
0x10: {  	[smem:$0x3FB5] =	sst s8  }
0x11: {  	[smem:$0x3FB6] =	sst s9;
	s0 =	simm.s32 @!p0 $0x0  }
0x12: {  	s1 =	sld [smem:$0x3F9C];
	s0 =	simm.s32 @p0 $0x1  }
0x13: {  	[smem:$0x3FB7] =	sst s0;
	s0 =	simm.s32 @!p1 $0x0  }
0x14: {  	s2 =	sld [smem:$0x3F9B];
	s0 =	simm.s32 @p1 $0x1  }
0x15: {  	[smem:$0x3FB8] =	sst s0;
	s0 =	simm.s32 @!p2 $0x0  }
0x16: {  	s3 =	sld [smem:$0x3FDB];
	s0 =	simm.s32 @p2 $0x1  }
0x17: {  	s4 =	simm.s32 $0x1BF5;
	[smem:$0x3FBA] =	sst s0  }
0x18: {  	s0 =	sld [smem:$0x3F9D];
	_ =	swait.ge [sflag:s4], $0x0  }
0x19: {  	s7 =	sld [smem:$0x3F9E]  }
0x1a: {  	s8 =	sadd.s32 $0xFFFFE003, lr  }
0x1b: {  	s9 =	sadd.s32 $0xFFFFFEF7, lr;
	s5 =	simm.s32 $0xFFFFFFFF;
	p2 =	slt.u32 s8, $0xFFFFF086  }
0x1c: {  	p1 =	slt.u32 s9, $0xF7A;
	s5 =	simm.s32 @!p2 $0x0  }
0x1d: {  	s5 =	simm.s32 @p1 $0x1;
	p0 =	seq.s32 s7, s2  }
0x1e: {  	s7 =	smul.u32 @!p0 $0xF7A, s2;
	p2 =	seq.s32 @!p0 s5, $0x0  }
0x1f: {  	s9 =	smul.u32 $0xF7A, s1;
	s8 =	simm.s32 @!p0 $0x1BF5;
	p2 =	por !p2, p0  }
0x20: {  	[sflag:s8] =	ssyncset.s32 @!p0 $0xFFFFF086;
	s6 =	sadd.s32 @!p0 s3, s7;
	s7 =	simm.s32 @!p0 $0x108  }
0x21: {  	s3 =	sadd.s32 s3, s9;
	s6 =	sadd.s32 @!p0 $0x88, s6;
	s7 =	simm.s32 @p2 $0x1082  }
0x22: {  	[simem:s7], [sflag:s8] =	dma.local @!p0 [hbm:s6], $0xF7A  }
0x23: {  	s9 =	sor.u32 $0xD0000000, s2;
	s6 =	simm.s32 $0x108;
	_ =	swait.ge @!p0 [sflag:s8], $0x0  }
0x24: {  	s3 =	sadd.s32 $0x88, s3;
	s6 =	simm.s32 @!p1 $0x1082;
	[sflag:s4] =	ssyncset.s32 $0xFFFFF086  }
0x25: {  	[simem:s6], [sflag:s4] =	dma.local [hbm:s3], $0xF7A  }
0x26: {  	[smem:$0x3F9E] =	sst s1;
	(tag) =	ssettag s2;
	_ =	strace s9  }
0x27: {  	s1 =	sld [smem:$0x3FAE]  }
0x28: {  	s2 =	sld [smem:$0x3FAF]  }
0x29: {  	s4 =	sld [smem:$0x3FB1]  }
0x2a: {  	p0 =	seq.s32 s5, $0x0;
	s5 =	sld [smem:$0x3FB2]  }
0x2b: {  	s6 =	sld [smem:$0x3FB3]  }
0x2c: {  	s7 =	sld [smem:$0x3FB4]  }
0x2d: {  	s3 =	simm.s32 $0x108;
	s8 =	sld [smem:$0x3FB5]  }
0x2e: {  	s3 =	simm.s32 @!p0 $0x1082;
	s9 =	sld [smem:$0x3FB6]  }
0x2f: {  	lr =	sadd.s32 s0, s3;
	s0 =	sld [smem:$0x3FAD]  }
0x30: {  	s3 =	sld [smem:$0x3FB0]  }
0x31: {  	[smem:$0x3FB9] =	sst s10  }
0x32: {  	s10 =	sld [smem:$0x3FB7];
	_ =	sdelay $0x3  }
0x33: {  	p0 =	seq.s32 s10, $0x1;
	s10 =	sld [smem:$0x3FB9];
	_ =	sdelay $0x3  }
0x34: {  	[smem:$0x3FB9] =	sst s10  }
0x35: {  	s10 =	sld [smem:$0x3FB8];
	_ =	sdelay $0x3  }
0x36: {  	p1 =	seq.s32 s10, $0x1;
	s10 =	sld [smem:$0x3FB9];
	_ =	sdelay $0x3  }
0x37: {  	[smem:$0x3FB9] =	sst s10  }
0x38: {  	s10 =	sld [smem:$0x3FBA]  }
0x39: {  	_ = 	snop;
	(pc) =	sbr.ind lr, $3  }
0x3a: {  	_ = 	snop  }
0x3b: {  	_ = 	snop  }
0x3c: {  	p2 =	seq.s32 s10, $0x1;
	s10 =	sld [smem:$0x3FB9]  }
0x3d: {  	_ =	shalt  }
0x3e: {  	_ =	shalt  }
0x3f: {  	_ =	shalt  }
0x40: {  	_ =	shalt  }
0x41: {  	_ =	shalt  }
0x42: {  	_ =	shalt  }
0x43: {  	_ =	shalt  }
0x44: {  	_ =	shalt  }
0x45: {  	_ =	shalt  }
0x46: {  	_ =	shalt  }
0x47: {  	_ =	shalt  }
0x48: {  	_ =	shalt  }
0x49: {  	_ =	shalt  }
0x4a: {  	_ =	shalt  }
0x4b: {  	_ =	shalt  }
0x4c: {  	_ =	shalt  }
0x4d: {  	_ =	shalt  }
0x4e: {  	_ =	shalt  }
0x4f: {  	_ =	shalt  }
0x50: {  	_ =	shalt  }
0x51: {  	_ =	shalt  }
0x52: {  	_ =	shalt  }
0x53: {  	_ =	shalt  }
0x54: {  	_ =	shalt  }
0x55: {  	_ =	shalt  }
0x56: {  	_ =	shalt  }
0x57: {  	_ =	shalt  }
0x58: {  	_ =	shalt  }
0x59: {  	_ =	shalt  }
0x5a: {  	_ =	shalt  }
0x5b: {  	_ =	shalt  }
0x5c: {  	_ =	shalt  }
0x5d: {  	_ =	shalt  }
0x5e: {  	_ =	shalt  }
0x5f: {  	_ =	shalt  }
0x60: {  	_ =	shalt  }
0x61: {  	_ =	shalt  }
0x62: {  	_ =	shalt  }
0x63: {  	_ =	shalt  }
0x64: {  	_ =	shalt  }
0x65: {  	_ =	shalt  }
0x66: {  	_ =	shalt  }
0x67: {  	_ =	shalt  }
0x68: {  	_ =	shalt  }
0x69: {  	_ =	shalt  }
0x6a: {  	_ =	shalt  }
0x6b: {  	_ =	shalt  }
0x6c: {  	_ =	shalt  }
0x6d: {  	_ =	shalt  }
0x6e: {  	_ =	shalt  }
0x6f: {  	_ =	shalt  }
0x70: {  	_ =	shalt  }
0x71: {  	_ =	shalt  }
0x72: {  	_ =	shalt  }
0x73: {  	_ =	shalt  }
0x74: {  	_ =	shalt  }
0x75: {  	_ =	shalt  }
0x76: {  	_ =	shalt  }
0x77: {  	_ =	shalt  }
0x78: {  	_ =	shalt  }
0x79: {  	_ =	shalt  }
0x7a: {  	_ =	shalt  }
0x7b: {  	_ =	shalt  }
0x7c: {  	_ =	shalt  }
0x7d: {  	_ =	shalt  }
0x7e: {  	_ =	shalt  }
0x7f: {  	_ =	shalt  }
0x80: {  	_ =	shalt  }
0x81: {  	_ =	shalt  }
0x82: {  	_ =	shalt  }
0x83: {  	_ =	shalt  }
0x84: {  	_ =	shalt  }
0x85: {  	_ =	shalt  }
0x86: {  	_ =	shalt  }
0x87: {  	_ =	shalt  }
.Lfunc_end0:
.L_simem_size_0:
called_computation.1_lowered:
.L_overlay_start_0:
0x88: {  	s2 =	sld [smem:$0x3FD9]  }
0x89: {  	s3 =	sld [smem:$0x3FFE];
	_ =	sdelay $0x1  }
0x8a: {  	s1 =	srdreg.scid  }
0x8b: {  	s0 =	sand.u32 $0x1, s1  }
0x8c: {  	s17 =	sshll.u32 s0, $0xA;
	s2 =	sadd.s32 s3, s2  }
0x8d: {  	s2 =	sadd.s32 s2, s17  }
0x8e: {  	[smem:$0x3FC5] =	sst s2  }
0x8f: {  	_ = 	snop  }
0x90: {  	s18 =	sld [smem:$0x3FD0];
	(tm) =	ssettm $0x1  }
0x91: {  	s19 =	sld [smem:$0x3FFB];
	_ =	sdelay $0x3  }
0x92: {  	_ =	strace s19  }
0x93: {  	s2 =	sld [smem:$0x3FFC];
	_ =	sdelay $0x3  }
0x94: {  	_ =	strace s2  }
0x95: {  	s2 =	sld [smem:$0x3FFD];
	_ =	sdelay $0x3  }
0x96: {  	_ =	strace s2  }
0x97: {  	_ =	strace $0x8FFFFFFF  }
0x98: {  	s20 =	sld [smem:$0x3FDB];
	_ =	sdelay $0x1  }
0x99: {  	s4 =	simm.s32 $_scs_section_size  }
0x9a: {  	s5 =	simm.s32 $_size__tile_overlayer_lowered;
	s6 =	simm.s32 $_tile_overlayer_lowered  }
0x9b: {  	s7 =	simm.s32 $0x1BFF;
	s21 =	sshll.u32 s6, $0x1;
	s4 =	sadd.s32 s4, s20  }
0x9c: {  	s22 =	simm.s32 $0x0;
	s5 =	sshll.u32 s5, $0x1;
	s6 =	sadd.s32 s21, s4  }
0x9d: {  	[timem:s22], [sflag:s7] =	dma.local [hbm:s6], s5  }
0x9e: {  	_ =	swait.ge [sflag:s7], s5  }
0x9f: {  	s5 =	ssub.s32 $0x0, s5;
	[sflag:s7] =	ssyncset.done $0x0  }
0xa0: {  	[sflag:s7] =	ssyncadd.s32 s5;
	_ =	sdelay $0x1  }
0xa1: {  	s23 =	simm.s32 $0x1B8B  }
0xa2: {  	_ =	swait.ge [sflag:s23], $0x1  }
0xa3: {  	[sflag:s23] =	ssyncset.done $0x0  }
0xa4: {  	[sflag:s23] =	ssyncadd.s32 $0xFFFFFFFF  }
0xa5: {  	s5 =	sld [smem:$0x0]  }
0xa6: {  	s6 =	sand.u32 $0xFFFFFFFE, s1  }
0xa7: {  	p0 =	sne.s32 s1, s6  }
0xa8: {  	s6 =	sshll.u32 @p0 s6, $0xE  }
0xa9: {  	s6 =	sadd.s32 @p0 $0x11B8D, s6;
	s7 =	sshll.u32 @p0 s5, $0x11  }
0xaa: {  	s6 =	sor.u32 @p0 s7, s6  }
0xab: {  	[sflag:s6] =	ssyncadd.remote.s32 @p0 $0x1;
	_ =	sdelay $0x1  }
0xac: {  	s6 =	simm.s32 @p0 $0x1B8D  }
0xad: {  	_ =	swait.eq @p0 [sflag:s6], $0x1  }
0xae: {  	[sflag:s6] =	ssyncadd.s32 @p0 $0xFFFFFFFF  }
0xaf: {  	s7 =	sshll.u32 @!p0 s1, $0xE  }
0xb0: {  	s7 =	sor.u32 @!p0 $0x4000, s7;
	s6 =	simm.s32 @!p0 $0x1B8D  }
0xb1: {  	s5 =	sshll.u32 @!p0 s5, $0x11;
	s7 =	sadd.s32 @!p0 $0x11B8D, s7;
	_ =	swait.eq @!p0 [sflag:s6], $0x1  }
0xb2: {  	s5 =	sor.u32 @!p0 s5, s7;
	[sflag:s6] =	ssyncadd.s32 @!p0 $0xFFFFFFFF  }
0xb3: {  	s25 =	simm.s32 $0x1B8E;
	s24 =	sld [smem:$0x3FFE];
	[sflag:s5] =	ssyncadd.remote.s32 @!p0 $0x1  }
0xb4: {  	s26 =	simm.s32 $execute0_lowered;
	[smem:$0x3FD2] =	sst s25  }
0xb5: {  	s6 =	sshll.u32 s26, $0x1;
	_ =	strace $0x80000049;
	[dreg:$0x1] =	wrdreg $0xFFFFFFFF  }
0xb6: {  	s28 =	simm.s32 $_size_execute0_lowered;
	s4 =	sadd.s32 s4, s6;
	[dreg:$0x0] =	wrdreg $0x0  }
0xb7: {  	s6 =	sshll.u32 s28, $0x1;
	[dreg:$0x2] =	wrdreg s4  }
0xb8: {  	[dreg:$0x3] =	wrdreg s6  }
0xb9: {  	[dreg:$0x4] =	wrdreg $0xC0  }
0xba: {  	_ =	task [dreg:s22], $0x5FFFF  }
0xbb: {  	[dreg:$0x1] =	wrdreg $0xFFFFFFFF  }
0xbc: {  	[dreg:$0x0] =	wrdreg $0x60  }
0xbd: {  	[dreg:$0x2] =	wrdreg s24  }
0xbe: {  	[dreg:$0x3] =	wrdreg s18  }
0xbf: {  	[dreg:$0x4] =	wrdreg $0x9  }
0xc0: {  	_ =	task.clear_ibuf [dreg:s22], $0x5FFFF;
	_ =	strace $0x90000049  }
0xc1: {  	s29 =	simm.s32 $0x9;
	_ =	strace $0x8000004B  }
0xc2: {  	_ =	swait.ge [sflag:s29], $0x1  }
0xc3: {  	[sflag:s29] =	ssyncadd.s32 $0xFFFFFFFF  }
0xc4: {  	_ =	strace $0x9000004B  }
0xc5: {  	_ =	sfence  }
0xc6: {  	s30 =	sld [smem:$0x0];
	_ =	sdelay $0x2  }
0xc7: {  	s31 =	sshll.u32 s1, $0xD;
	s1 =	sshrl.u32 s1, $0x2  }
0xc8: {  	s4 =	sand.u32 $0x4000, s31;
	s1 =	sadd.s32 s1, s30  }
0xc9: {  	s0 =	sor.u32 s4, s0;
	s1 =	sshll.u32 s1, $0x11  }
0xca: {  	s0 =	sor.u32 s1, s0  }
0xcb: {  	s0 =	sadd.s32 $0x8F2B, s0  }
0xcc: {  	[sflag:s0] =	ssyncadd.remote.s32 $0x1  }
0xcd: {  	_ =	sfence.sel $0xFFFF  }
0xce: {  	[dreg:$0x0] =	wrdreg $0xFFFFFFFF;
	(pc) =	sbr.abs _section_cstart, $3  }
0xcf: {  	[dreg:$0x1] =	wrdreg $0xFFFFFFFF  }
0xd0: {  	_ =	task.clear_ibuf [dreg:s22], $0x2FFFF;
	_ =	strace $0x9FFFFFFF  }
0xd1: {  	(tm) =	ssettm $0x7FFFFFFF  }
tec
execute0_lowered:
.L_overlay_start_1:
0x0: {  	(tag) =	ssettag $0x1  }
0x1: {  	s8 =	rddreg [dreg:$0x0]  }
0x2: {  	s2 =	rddreg [dreg:$0x1]  }
0x3: {  	s0 =	rddreg [dreg:$0x2];
	s1 =	stileid.u32  }
0x4: {  	s3 =	srdreg.scid;
	_ =	strace $0x8000004A;
	s4 =	simm.s32 $0x1  }
0x5: {  	s7 =	simm.s32 $0x1;
	s9 =	simm.s32 $0x1;
	s10 =	simm.s32 $0x3  }
0x6: {  	s13 =	simm.s32 $0x0;
	s5 =	sand.u32 $0x1, s3;
	s6 =	sshll.u32 s1, $0x1  }
0x7: {  	s12 =	simm.s32 $0x0;
	s3 =	sadd.s32 $0x6200, s8;
	s5 =	sor.u32 s6, s5  }
.Ltmp0:
0x8: {  	[sflag:s4] =	ssyncpa.u1 $0x0;
	p0 =	slt.u32 s5, $0x13;
	(pc) =	sbr.rel .LBB2_1-.Ltmp0, $4  }
0x9: {  	s6 =	simm.s32 $0x2;
	s7 =	simm.s32 @!p0 $0x0;
	p0 =	sne.s32 s5, $0x12  }
0xa: {  	[sflag:s6] =	ssyncpa.u1 $0x0;
	s5 =	smul.u32 $0xFA0, s5;
	s9 =	simm.s32 @!p0 $0x0  }
0xb: {  	s8 =	sadd.s32 $0x12600, s8;
	[sflag:s10] =	ssyncpa.u1 $0x0;
	s7 =	sadd.s32 s9, s7  }
0xc: {  	vm0 =	vmmov $0xffff;
	s10 =	simm.s32 $0x0;
	s11 =	smov.u32 s5;
	s9 =	sadd.s32 $0x1, s7  }
.LBB2_4:
0xd: {  	v2 =	vnsel vm1, $0x0, v2  }
0xe: {  	vm1 =	vgt.s32 v0, $0x0;
	v2 =	vmin.u32 v2, $0x30D3F  }
0xf: {  	v0 =	vnsel vm1, $0x0, v0  }
0x10: {  	v0 =	vmin.u32 v0, $0x30D3F  }
0x11: {  	[tilespmem:s18], [sflag:$0x1] =	stream.indirect_vreg.gather [hbm4b:s3+s10], $0x1, v1, vm0, $0x4038;
	[tilespmem:$0x3E80] =	vst v63  }
0x12: {  	(ifvalue) =	ssetifvalue $0x7FFFFFFF  }
0x13: {  	[tilespmem:s15], [sflag:$0x1] =	stream.indirect_vreg.gather [hbm4b:s3+s10], $0x1, v2, vm0, $0x4038;
	[tilespmem:$0x3E80] =	vst v63  }
0x14: {  	s29 =	sadd.s32 $0x10, s15;
	(ifvalue) =	ssetifvalue $0x7FFFFFFF  }
0x15: {  	[tilespmem:s29], [sflag:$0x1] =	stream.indirect_vreg.gather [hbm4b:s3+s10], $0x1, v0, vm0, $0x4038;
	[tilespmem:$0x3E80] =	vst v63  }
0x16: {  	_ =	swait.ge [sflag:s4], $0xFA0  }
0x17: {  	s30 =	sshrl.u32 s13, $0x3;
	[sflag:s4] =	ssyncset.done $0x0  }
0x18: {  	s31 =	sand.u32 $0x7, s13;
	s15 =	sadd.s32 s8, s30;
	[sflag:s4] =	ssyncadd.s32 $0xFFFFF060  }
0x19: {  	[hbm4b:s15+s31] =	stream.linear.scatter [tilespmem:s14], [sflag:$0x3], $0xFA0, $0x38;
	[tilespmem:$0x3E80] =	vst v63  }
.LBB2_5:
0x1a: {  	s15 =	sadd.s32 $0x1F400, s11  }
0x1b: {  	p1 =	sgt.s32 s15, $0x30D3F  }
0x1c: {  	s15 =	smov.u32 @p1 s5;
	p1 =	sne.s32 s12, s9  }
.Ltmp1:
0x1d: {  	p0 =	slt.u32 s12, $0x2;
	(pc) =	sbr.rel @!p1 .LBB2_6-.Ltmp1, $4  }
0x1e: {  	s14 =	simm.s32 @!p0 $0x3  }
0x1f: {  	_ =	swait.ge @!p0 [sflag:s14], $0xFA0  }
0x20: {  	s16 =	sadd.s32 $0x1, s12;
	s13 =	smov.u32 s11;
	[sflag:s14] =	ssyncset.done @!p0 $0x0  }
0x21: {  	s12 =	smov.u32 s16;
	s11 =	smov.u32 s15;
	[sflag:s14] =	ssyncadd.s32 @!p0 $0xFFFFF060  }
.LBB2_1:
0x22: {  	p0 =	sge.u32 s12, s7  }
0x23: {  	s14 =	sxor.u32 @!p0 $0x1, s12  }
0x24: {  	s14 =	smul.u32 @!p0 $0x3E80, s14  }
0x25: {  	s31 =	sadd.s32 $0xFFFFFFFF, s12;
	s15 =	sshrl.u32 @!p0 s11, $0x3  }
0x26: {  	s16 =	sand.u32 @!p0 $0x7, s11;
	s15 =	sadd.s32 @!p0 s2, s15;
	s14 =	sshra.s32 @!p0 s14, $0x2  }
0x27: {  	[tilespmem:s14], [sflag:$0x2] =	stream.linear.gather @!p0 [hbm4b:s15+s16], $0xFA0, $0x38;
	[tilespmem:$0x3E80] =	vst v63  }
0x28: {  	p0 =	sge.u32 s31, s7  }
.Ltmp2:
0x29: {  	_ = 	snop;
	(pc) =	sbr.rel @p0 .LBB2_5-.Ltmp2, $1  }
0x2a: {  	_ =	sdelay $0x3  }
0x2b: {  	s14 =	sand.u32 $0x1, s12  }
0x2c: {  	_ =	swait.ge [sflag:s6], $0xFA0;
	p0 =	seq.s32 s14, $0x1;
	s14 =	simm.s32 $0xFA0  }
0x2d: {  	[sflag:s6] =	ssyncset.done $0x0;
	s14 =	simm.s32 @!p0 $0x0  }
0x2e: {  	[sflag:s6] =	ssyncadd.s32 $0xFFFFF060;
	(ifvalue) =	ssetifvalue $0x7FFFFFFF;
	v0 =	vld.msk [tilespmem:s14+$0x0 ss:$0x1], $0xffff;
	_ =	sdelay $0x4  }
0x2f: {  	s15 =	sadd.s32 $0x10, s14;
	vm1 =	vgt.s32 v0, $0x0  }
0x30: {  	v2 =	vld.msk [tilespmem:s15+$0x0 ss:$0x1], $0xffff;
	v1 =	vnsel vm1, $0x0, v0  }
0x31: {  	v1 =	vmin.u32 v1, $0x30D3F;
	_ =	sdelay $0x2  }
0x32: {  	s17 =	simm.s32 $0x20;
	s14 =	sadd.s32 $0x1F40, s14;
	s16 =	sadd.s32 $0x10, s15  }
0x33: {  	s15 =	sadd.s32 $0x10, s14;
	s18 =	smov.u32 s14;
	v0 =	vld.msk [tilespmem:s16+$0x0 ss:$0x1], $0xffff;
	vm1 =	vgt.s32 v2, $0x0;
	(ifvalue) =	ssetifvalue $0x7FFFFFFF  }
.LBB2_3:
0x34: {  	[tilespmem:s18], [sflag:$0x1] =	stream.indirect_vreg.gather [hbm4b:s3+s10], $0x1, v1, vm0, $0x4038;
	[tilespmem:$0x3E80] =	vst v63  }
0x35: {  	s17 =	sadd.s32 $0x10, s17  }
0x36: {  	v2 =	vnsel vm1, $0x0, v2;
	p0 =	slt.u32 s17, $0xF90  }
.Ltmp3:
0x37: {  	s18 =	smov.u32 s15;
	v1 =	vmin.u32 v2, $0x30D3F;
	(pc) =	sbr.rel @p0 .LBB2_3-.Ltmp3, $3  }
0x38: {  	_ =	sdelay $0x1  }
0x39: {  	s16 =	sadd.s32 $0x10, s16  }
0x3a: {  	vm1 =	vgt.s32 v0, $0x0;
	s15 =	sadd.s32 $0x10, s15;
	v2 =	vmov v0;
	(ifvalue) =	ssetifvalue $0x7FFFFFFF;
	v0 =	vld.msk [tilespmem:s16+$0x0 ss:$0x1], $0xffff  }
.Ltmp4:
0x3b: {  	_ = 	snop;
	(pc) =	sbr.rel .LBB2_4-.Ltmp4, $1  }
0x3c: {  	_ =	sdelay $0x3  }
.LBB2_6:
0x3d: {  	_ =	sfence.sel $0x180000  }
0x3e: {  	s2 =	simm.s32 $0x2;
	[bflag:$0x0] =	sbarrier.arrive $0xFFFF  }
0x3f: {  	s30 =	simm.s32 $0x3;
	[sflag:s2] =	ssyncpa.u1 $0x1  }
0x40: {  	s31 =	simm.s32 $0x1;
	[sflag:s30] =	ssyncpa.u1 $0x1  }
0x41: {  	[sflag:s31] =	ssyncpa.u1 $0x1  }
0x42: {  	p0 =	sne.s32 s1, $0x0;
	_ =	strace $0x9000004A  }
0x43: {  	s0 =	sadd.s32 @!p0 $0x100000, s0;
	[bflag:$0x2] =	sbarrier.arrive $0xFFFF  }
0x44: {  	[sflag:s0] =	ssyncadd.tile.s32 @!p0 $0x1;
	_ =	shalt  }
.Lfunc_end2:
_tile_overlayer_lowered:
.L_overlay_start_2:
0x45: {  	(tag) =	ssettag $0x2  }
0x46: {  	s0 =	rddreg [dreg:$0x0];
	s2 =	stileid.u32  }
0x47: {  	s1 =	rddreg [dreg:$0x1];
	p0 =	sne.s32 s2, $0x0  }
0x48: {  	s3 =	rddreg [dreg:$0x2];
	[bflag:$0x3] =	sbarrier.arrive $0xFFFF;
	s2 =	simm.s32 @!p0 $0x1C01  }
0x49: {  	[timem:s3], [sflag:s2] =	dma.local @!p0 [hbm:s0], s1  }
0x4a: {  	s0 =	simm.s32 @!p0 $0x1  }
0x4b: {  	_ =	swait.ge @!p0 [sflag:s0], s1  }
0x4c: {  	s1 =	ssub.s32 @!p0 $0x0, s1;
	[sflag:s0] =	ssyncset.done @!p0 $0x0  }
0x4d: {  	[sflag:s0] =	ssyncadd.s32 @!p0 s1  }
0x4e: {  	[bflag:$0x3] =	sbarrier.arrive $0xFFFF  }
0x4f: {  	_ =	shalt  }

// kernel: sparse-core-data-format-call.cloned.1.call-start
scs
called_computation_lowered:
.L_overlay_start_0:
0x0: {  	s2 =	sld [smem:$0x3FD9]  }
0x1: {  	s3 =	sld [smem:$0x3FFE];
	_ =	sdelay $0x1  }
0x2: {  	s1 =	srdreg.scid  }
0x3: {  	s0 =	sand.u32 $0x1, s1  }
0x4: {  	s18 =	sshll.u32 s0, $0xA;
	s2 =	sadd.s32 s3, s2  }
0x5: {  	s2 =	sadd.s32 s2, s18  }
0x6: {  	[smem:$0x3FC5] =	sst s2  }
0x7: {  	_ = 	snop  }
0x8: {  	s2 =	sld [smem:$0x3FD0];
	(tm) =	ssettm $0x1  }
0x9: {  	s19 =	sld [smem:$0x3FFB];
	_ =	sdelay $0x3  }
0xa: {  	_ =	strace s19  }
0xb: {  	s3 =	sld [smem:$0x3FFC];
	_ =	sdelay $0x3  }
0xc: {  	_ =	strace s3  }
0xd: {  	s3 =	sld [smem:$0x3FFD];
	_ =	sdelay $0x3  }
0xe: {  	_ =	strace s3  }
0xf: {  	_ =	strace $0x8FFFFFFF  }
0x10: {  	s20 =	sld [smem:$0x3FDB];
	_ =	sdelay $0x1  }
0x11: {  	s4 =	simm.s32 $_scs_section_size  }
0x12: {  	s5 =	simm.s32 $_size__tile_overlayer_lowered;
	s6 =	simm.s32 $_tile_overlayer_lowered  }
0x13: {  	s23 =	simm.s32 $0x1BFF;
	s22 =	sshll.u32 s6, $0x1;
	s3 =	sadd.s32 s4, s20  }
0x14: {  	s7 =	simm.s32 $0x0;
	s21 =	sshll.u32 s5, $0x1;
	s5 =	sadd.s32 s22, s3  }
0x15: {  	[timem:s7], [sflag:s23] =	dma.local [hbm:s5], s21  }
0x16: {  	_ =	swait.ge [sflag:s23], s21  }
0x17: {  	s4 =	ssub.s32 $0x0, s21;
	[sflag:s23] =	ssyncset.done $0x0  }
0x18: {  	[sflag:s23] =	ssyncadd.s32 s4;
	_ =	sdelay $0x1  }
0x19: {  	s24 =	simm.s32 $0x1B8B  }
0x1a: {  	_ =	swait.ge [sflag:s24], $0x1  }
0x1b: {  	[sflag:s24] =	ssyncset.done $0x0  }
0x1c: {  	s26 =	simm.s32 $0x1B8E;
	s25 =	sld [smem:$0x3FFE];
	[sflag:s24] =	ssyncadd.s32 $0xFFFFFFFF  }
0x1d: {  	s27 =	simm.s32 $execute0_lowered;
	[smem:$0x3FD2] =	sst s26  }
0x1e: {  	s5 =	sshll.u32 s27, $0x1;
	_ =	strace $0x8000004F;
	[dreg:$0x1] =	wrdreg $0xFFFFFFFF  }
0x1f: {  	s28 =	simm.s32 $_size_execute0_lowered;
	s3 =	sadd.s32 s3, s5;
	[dreg:$0x0] =	wrdreg $0x0  }
0x20: {  	s5 =	sshll.u32 s28, $0x1;
	[dreg:$0x2] =	wrdreg s3  }
0x21: {  	[dreg:$0x3] =	wrdreg s5  }
0x22: {  	[dreg:$0x4] =	wrdreg $0xC0  }
0x23: {  	_ =	task [dreg:s7], $0x5FFFF  }
0x24: {  	[dreg:$0x1] =	wrdreg $0xFFFFFFFF  }
0x25: {  	[dreg:$0x0] =	wrdreg $0x60  }
0x26: {  	[dreg:$0x2] =	wrdreg s25  }
0x27: {  	[dreg:$0x3] =	wrdreg s2  }
0x28: {  	[dreg:$0x4] =	wrdreg $0x9  }
0x29: {  	_ =	task.clear_ibuf [dreg:s7], $0x5FFFF;
	_ =	strace $0x9000004F  }
0x2a: {  	s29 =	simm.s32 $0x9;
	_ =	strace $0x80000051  }
0x2b: {  	_ =	swait.ge [sflag:s29], $0x1  }
0x2c: {  	[sflag:s29] =	ssyncadd.s32 $0xFFFFFFFF  }
0x2d: {  	_ =	strace $0x90000051  }
0x2e: {  	_ =	sfence  }
0x2f: {  	s30 =	sld [smem:$0x0];
	_ =	sdelay $0x2  }
0x30: {  	s31 =	sshll.u32 s1, $0xD;
	s1 =	sshrl.u32 s1, $0x2  }
0x31: {  	s3 =	sand.u32 $0x4000, s31;
	s1 =	sadd.s32 s1, s30  }
0x32: {  	s0 =	sor.u32 s3, s0;
	s1 =	sshll.u32 s1, $0x11  }
0x33: {  	s0 =	sor.u32 s1, s0  }
0x34: {  	s0 =	sadd.s32 $0x8F2B, s0  }
0x35: {  	[sflag:s0] =	ssyncadd.remote.s32 $0x1  }
0x36: {  	_ =	sfence.sel $0xFFFF  }
0x37: {  	[dreg:$0x0] =	wrdreg $0xFFFFFFFF;
	(pc) =	sbr.abs _section_cstart, $3  }
0x38: {  	[dreg:$0x1] =	wrdreg $0xFFFFFFFF  }
0x39: {  	_ =	task.clear_ibuf [dreg:s7], $0x2FFFF;
	_ =	strace $0x9FFFFFFF  }
0x3a: {  	(tm) =	ssettm $0x7FFFFFFF  }
0x3b: {  	_ =	shalt  }
tec
execute0_lowered:
.L_overlay_start_1:
0x0: {  	(tag) =	ssettag $0x1  }
0x1: {  	s0 =	srdreg.scid;
	s2 =	rddreg [dreg:$0x0]  }
0x2: {  	s3 =	rddreg [dreg:$0x1];
	s5 =	simm.s32 $0x1;
	s1 =	sshll.u32 s0, $0x4  }
0x3: {  	s7 =	simm.s32 $0x2;
	s0 =	stileid.u32;
	s1 =	sand.u32 $0x10, s1  }
.Ltmp0:
0x4: {  	s11 =	simm.s32 $0x0;
	s4 =	sor.u32 s0, s1;
	(pc) =	sbr.rel .LBB1_1-.Ltmp0, $4  }
0x5: {  	p0 =	por $0x0, $0x0;
	s8 =	simm.s32 $0x186C00;
	s4 =	sshll.u32 s4, $0x7  }
0x6: {  	s1 =	rddreg [dreg:$0x2];
	_ =	strace $0x80000050;
	s6 =	ssub.s32 $0x30D00, s4  }
0x7: {  	s10 =	simm.s32 $0x0;
	[sflag:s5] =	ssyncpa.u1 $0x0;
	s6 =	sshrl.u32 s6, $0xC  }
0x8: {  	[sflag:s7] =	ssyncpa.u1 $0x0;
	s9 =	smov.u32 s4;
	s7 =	sadd.s32 $0x2, s6  }
.LBB1_5:
0x9: {  	s13 =	sadd.s32 $0x1000, s9  }
0xa: {  	p2 =	sgt.s32 s13, $0x30D3F  }
0xb: {  	s13 =	smov.u32 @p2 s4;
	p2 =	sne.s32 s10, s7  }
.Ltmp1:
0xc: {  	p1 =	slt.u32 s10, $0x2;
	(pc) =	sbr.rel @!p2 .LBB1_6-.Ltmp1, $4  }
0xd: {  	s12 =	simm.s32 @!p1 $0x2  }
0xe: {  	s14 =	sadd.s32 $0x1, s10;
	_ =	swait.ge @!p1 [sflag:s12], $0x2000  }
0xf: {  	s11 =	smov.u32 s9;
	p0 =	por !p0, !p0;
	[sflag:s12] =	ssyncset.done @!p1 $0x0  }
0x10: {  	s10 =	smov.u32 s14;
	s9 =	smov.u32 s13;
	[sflag:s12] =	ssyncadd.s32 @!p1 $0xFFFFE000  }
.LBB1_1:
0x11: {  	p1 =	sgt.u32 s10, s6  }
0x12: {  	s13 =	smov.u32 s9;
	p2 =	sgt.s32 @!p1 s9, $0x30CC0  }
0x13: {  	s12 =	sand.u32 @!p1 $0x1FFFFFF, s9;
	s14 =	sshra.s32 @!p1 s9, $0x1F;
	p2 =	por !p2, p1  }
0x14: {  	s15 =	smulhi.u32 @!p1 $0x14F8B59, s12;
	s14 =	sand.u32 @!p1 s14, s9;
	s13 =	simm.s32 @p2 $0x30CC0  }
0x15: {  	s13 =	ssub.s32 @!p1 s13, s14  }
0x16: {  	s14 =	sshrl.u32 @!p1 s15, $0xA;
	s13 =	sadd.s32 @!p1 $0xFFFCF340, s13  }
0x17: {  	s15 =	sxor.u32 @!p1 $0xFFFFFFFF, s10;
	s14 =	smul.u32 @!p1 $0x30D40, s14;
	s16 =	sshll.u32 @!p1 s13, $0x8  }
0x18: {  	s15 =	sshll.u32 @!p1 s15, $0xD;
	p2 =	sgt.s32 @!p1 s13, $0x7F;
	s13 =	ssub.s32 @!p1 $0x8000, s16  }
0x19: {  	s12 =	ssub.s32 @!p1 s12, s14;
	p2 =	por !p2, p1;
	s14 =	sand.u32 @!p1 $0x2000, s15  }
0x1a: {  	s15 =	simm.s32 @!p1 $0x40;
	s13 =	sshrl.u32 @!p1 s13, $0x2;
	s12 =	sshll.u32 @!p1 s12, $0x4  }
0x1b: {  	s16 =	simm.s32 @!p1 $0x80;
	s13 =	simm.s32 @!p2 $0x0;
	s12 =	sadd.s32 @!p1 s2, s12  }
0x1c: {  	[tilespmem:s14], [sflag:$0x1] =	stream.strided.gather @!p1 [hbm4b:s12+s15], s13, s16, s15, $0x38;
	[tilespmem:$0x8080] =	vst v63  }
0x1d: {  	p1 =	seq.s32 s10, $0x0  }
0x1e: {  	p2 =	sge.u32 @!p1 s10, s7  }
0x1f: {  	p1 =	por p1, p2  }
.Ltmp2:
0x20: {  	_ = 	snop;
	(pc) =	sbr.rel @p1 .LBB1_5-.Ltmp2, $1  }
0x21: {  	_ =	sdelay $0x3  }
0x22: {  	p1 =	sgt.s32 s11, $0x30CC0;
	s12 =	smov.u32 s11;
	s13 =	sshra.s32 s11, $0x1F  }
0x23: {  	s12 =	simm.s32 @!p1 $0x30CC0;
	s13 =	sand.u32 s13, s11  }
0x24: {  	s12 =	ssub.s32 s12, s13  }
0x25: {  	s12 =	sadd.s32 $0xFFFCF340, s12  }
0x26: {  	s28 =	sshll.u32 s12, $0x8  }
0x27: {  	s13 =	ssub.s32 $0x8000, s28  }
0x28: {  	p1 =	sgt.s32 s12, $0x7F;
	s12 =	sshrl.u32 s13, $0x2  }
0x29: {  	s13 =	simm.s32 $0x1;
	s12 =	simm.s32 @p1 $0x0  }
0x2a: {  	s13 =	simm.s32 @!p0 $0x0;
	_ =	swait.ge [sflag:s5], s12  }
0x2b: {  	s14 =	sshll.u32 s13, $0xD;
	s12 =	ssub.s32 $0x0, s12;
	[sflag:s5] =	ssyncset.done $0x0  }
0x2c: {  	s16 =	sor.u32 $0x20, s14;
	[sflag:s5] =	ssyncadd.s32 s12  }
0x2d: {  	s29 =	smul.u32 $0x8100, s13;
	v3 =	vld [tilespmem:s16+$0x10]  }
0x2e: {  	s30 =	sand.u32 $0x1, s10;
	v2 =	vld [tilespmem:s16+$0xFFFFFFF0]  }
0x2f: {  	s13 =	smul.u32 $0x8100, s30;
	s12 =	sshrl.u32 s29, $0x2;
	v0 =	vld [tilespmem:s16+$0x0]  }
0x30: {  	s14 =	sor.u32 $0x4000, s12;
	v1 =	vld [tilespmem:s16+$0xFFFFFFE0]  }
0x31: {  	s31 =	sshrl.u32 s13, $0x2;
	s13 =	sadd.s32 $0x0, s14  }
0x32: {  	s15 =	simm.s32 $0x4;
	s12 =	sor.u32 $0x4000, s31;
	s16 =	sadd.s32 $0x40, s16;
	[tilespmem:s13+$0x1830 ss:$0x81] =	vst.msk $0xffff, v3  }
.LBB1_3:
0x33: {  	v3 =	vld [tilespmem:s16+$0x10];
	p1 =	sne.s32 s15, $0x1FC;
	[tilespmem:s13+$0x810 ss:$0x81] =	vst.msk $0xffff, v2;
	s17 =	smov.u32 s15;
	s15 =	sadd.s32 $0x4, s15  }
.Ltmp3:
0x34: {  	v2 =	vld [tilespmem:s16+$0xFFFFFFF0];
	[tilespmem:s13+$0x1020 ss:$0x81] =	vst.msk $0xffff, v0;
	(pc) =	sbr.rel @p1 .LBB1_3-.Ltmp3, $4  }
0x35: {  	v0 =	vld [tilespmem:s16+$0x0];
	[tilespmem:s13+$0x0 ss:$0x81] =	vst.msk $0xffff, v1  }
0x36: {  	s13 =	sshra.s32 s17, $0x2;
	v1 =	vld [tilespmem:s16+$0xFFFFFFE0]  }
0x37: {  	s13 =	sadd.s32 s13, s14  }
0x38: {  	s16 =	sadd.s32 $0x40, s16;
	[tilespmem:s13+$0x1830 ss:$0x81] =	vst.msk $0xffff, v3  }
0x39: {  	s14 =	sshll.u32 s11, $0x3  }
0x3a: {  	s14 =	sand.u32 $0xFFFFFC00, s14  }
0x3b: {  	s15 =	sshrl.u32 s14, $0x7  }
0x3c: {  	s15 =	smulhi.u32 $0xA7B7EF, s15;
	_ =	sdelay $0x1  }
0x3d: {  	s15 =	sshrl.u32 s15, $0x2  }
0x3e: {  	s28 =	sand.u32 $0x7F, s11;
	s16 =	smul.u32 $0x30D80, s15  }
0x3f: {  	s11 =	sor.u32 s28, s14  }
.Ltmp4:
0x40: {  	s29 =	sand.u32 $0x3F, s15;
	s11 =	ssub.s32 s11, s16;
	(pc) =	sbr.rel .LBB1_5-.Ltmp4, $4  }
0x41: {  	[tilespmem:s13+$0x810 ss:$0x81] =	vst.msk $0xffff, v2;
	s14 =	smul.u32 $0x61B0, s29;
	s30 =	sshrl.u32 s11, $0x3;
	s11 =	sand.u32 $0x7, s11  }
0x42: {  	[tilespmem:s13+$0x1020 ss:$0x81] =	vst.msk $0xffff, v0;
	s15 =	sadd.s32 s3, s30;
	s11 =	sshll.u32 s11, $0x12  }
0x43: {  	[tilespmem:s13+$0x0 ss:$0x81] =	vst.msk $0xffff, v1;
	s31 =	sadd.s32 s14, s15;
	s11 =	sor.u32 $0x400, s11  }
0x44: {  	[hbm4b:s31+s11] =	stream.strided.scatter [tilespmem:s12], [sflag:$0x2], $0x2000, s8, s11, $0x20;
	[tilespmem:$0x8080] =	vst v63  }
.LBB1_6:
0x45: {  	_ =	sfence.sel $0x180000  }
0x46: {  	s2 =	simm.s32 $0x1;
	[bflag:$0x0] =	sbarrier.arrive $0xFFFF  }
0x47: {  	s31 =	simm.s32 $0x2;
	[sflag:s2] =	ssyncpa.u1 $0x1  }
0x48: {  	[sflag:s31] =	ssyncpa.u1 $0x1  }
0x49: {  	p0 =	sne.s32 s0, $0x0;
	_ =	strace $0x90000050  }
0x4a: {  	s0 =	sadd.s32 @!p0 $0x100000, s1;
	[bflag:$0x2] =	sbarrier.arrive $0xFFFF  }
0x4b: {  	[sflag:s0] =	ssyncadd.tile.s32 @!p0 $0x1;
	_ =	shalt  }
.Lfunc_end1:
_tile_overlayer_lowered:
.L_overlay_start_2:
0x4c: {  	(tag) =	ssettag $0x2  }
0x4d: {  	s0 =	rddreg [dreg:$0x0];
	s2 =	stileid.u32  }
0x4e: {  	s1 =	rddreg [dreg:$0x1];
	p0 =	sne.s32 s2, $0x0  }
0x4f: {  	s3 =	rddreg [dreg:$0x2];
	[bflag:$0x3] =	sbarrier.arrive $0xFFFF;
	s2 =	simm.s32 @!p0 $0x1C01  }
0x50: {  	[timem:s3], [sflag:s2] =	dma.local @!p0 [hbm:s0], s1  }
0x51: {  	s0 =	simm.s32 @!p0 $0x1  }
0x52: {  	_ =	swait.ge @!p0 [sflag:s0], s1  }
0x53: {  	s1 =	ssub.s32 @!p0 $0x0, s1;
	[sflag:s0] =	ssyncset.done @!p0 $0x0  }
0x54: {  	[sflag:s0] =	ssyncadd.s32 @!p0 s1  }
0x55: {  	[bflag:$0x3] =	sbarrier.arrive $0xFFFF  }
0x56: {  	_ =	shalt  }

</sc_bundles>
